<compile_context>
chip_gen: v7x
topology: tpu7x:2x2x1
jax: 0.10.2.dev20260603
libtpu: 0.0.44.dev20260713+nightly
codegen_flags: <defaults>
</compile_context>

<pallas_src>
import functools

import jax
import jax.numpy as jnp
from jax import lax
from jax.experimental import pallas as pl
from jax.experimental.pallas import tpu as pltpu
from jax.experimental.pallas import tpu_sc as plsc

D = 128
B_TOTAL = 4096 * 200
NC, NS = 2, 16
NW = NC * NS
BPW = B_TOTAL // NW
SUB = 128
CMAX = 384
NFULL = BPW // CMAX
CTAIL = BPW - NFULL * CMAX
NCH = NFULL + 1
ROWS_X = B_TOTAL // SUB

_mesh = plsc.VectorSubcoreMesh(core_axis_name="c", subcore_axis_name="s")


def _nsub(g):
    return (CTAIL // SUB) if g == NCH - 1 else (CMAX // SUB)


@functools.partial(
    pl.kernel,
    mesh=_mesh,
    out_type=jax.ShapeDtypeStruct((B_TOTAL, D), jnp.float32),
    scratch_types=[
        pltpu.VMEM((BPW // SUB, SUB), jnp.int32),
        pltpu.VMEM((CMAX, D), jnp.float32),
        pltpu.VMEM((CMAX, D), jnp.float32),
        pltpu.SemaphoreType.DMA,
        pltpu.SemaphoreType.DMA,
        pltpu.SemaphoreType.DMA,
        pltpu.SemaphoreType.DMA,
    ],
)
def _emb_lookup(x_hbm, tab_hbm, out_hbm,
                idx_all, rows0, rows1, gsem0, gsem1, osem0, osem1):
    wid = lax.axis_index("s") * NC + lax.axis_index("c")
    rx = wid * (BPW // SUB)

    rows = (rows0, rows1)
    gsem = (gsem0, gsem1)
    osem = (osem0, osem1)
    RPC = CMAX // SUB

    pltpu.sync_copy(x_hbm.at[pl.ds(rx, BPW // SUB)], idx_all)

    def fire_gather(g, b, nsub=RPC):
        for j in range(nsub):
            pltpu.async_copy(
                tab_hbm.at[idx_all.at[g * RPC + j]],
                rows[b].at[pl.ds(j * SUB, SUB)], gsem[b]
            )

    def drain_gather(g, b, nsub=RPC):
        for j in range(nsub):
            pltpu.make_async_copy(
                tab_hbm.at[idx_all.at[g * RPC + j]],
                rows[b].at[pl.ds(j * SUB, SUB)], gsem[b]
            ).wait()

    def fire_store(g, b, c=CMAX):
        pltpu.async_copy(
            rows[b].at[pl.ds(0, c)], out_hbm.at[pl.ds((rx + g * RPC) * SUB, c)],
            osem[b]
        )

    def drain_store(g, b, c=CMAX):
        pltpu.make_async_copy(
            rows[b].at[pl.ds(0, c)], out_hbm.at[pl.ds((rx + g * RPC) * SUB, c)],
            osem[b]
        ).wait()

    def ring_iter(g, b, first=False):
        drain_gather(g - 1, 1 - b)
        fire_store(g - 1, 1 - b)
        if not first:
            drain_store(g - 2, b)
        fire_gather(g, b)

    fire_gather(0, 0)
    ring_iter(1, 1, first=True)
    ring_iter(2, 0)

    def body(p, carry):
        g = 2 * p + 3
        ring_iter(g, 1)
        ring_iter(g + 1, 0)
        return carry

    lax.fori_loop(0, (NFULL - 4) // 2, body, 0)

    ring_iter(NCH - 2, 1)
    drain_gather(NCH - 2, 1)
    fire_store(NCH - 2, 1)
    drain_store(NCH - 3, 0)
    fire_gather(NCH - 1, 0, nsub=CTAIL // SUB)
    drain_gather(NCH - 1, 0, nsub=CTAIL // SUB)
    fire_store(NCH - 1, 0, c=CTAIL)
    drain_store(NCH - 2, 1)
    drain_store(NCH - 1, 0, c=CTAIL)


def kernel(x, table):
    xf = x.astype(jnp.int32).reshape(ROWS_X, SUB)
    out = _emb_lookup(xf, table)
    return out.reshape(x.shape[0], x.shape[1], D)

# --- scband reference (transcript-rebuilt; emitter-appended) ---
"""Pipeline reference for scband-inital-embedding-47742856462598 (READ-ONLY COPY).

The authoritative reference and input builder live on the scoring server;
editing this copy changes nothing except your own understanding.
"""

import jax, jax.numpy as jnp
import numpy as np

N = 100000
D_MODEL = 128
BATCH = 4096
HIST = 200

def setup_inputs(seed: int = 0) -> dict:
    key = jax.random.key(seed)
    k_idx, k_tab = jax.random.split(key)
    x = jax.random.randint(k_idx, (BATCH, HIST), 0, N, dtype=jnp.int64 if jax.config.jax_enable_x64 else jnp.int32)
    # nn.Embedding default init: N(0, 1)
    table = jax.random.normal(k_tab, (N, D_MODEL), dtype=jnp.float32)
    return {"x": x, "table": table}

def reference(x, table):
    # forward: x = x.long(); return self.embed(x)
    idx = x.astype(jnp.int32)
    return jnp.take(table, idx, axis=0)

if __name__ == "__main__":
    import jax
    _d = setup_inputs()
    print(jax.jit(kernel)(*tuple(_d.values())))

</pallas_src>

<mosaic_0001>
#map = affine_map<(d0, d1) -> (0, 0)>
module attributes {stable_mosaic.version = 14 : i64} {
  func.func @_emb_lookup(%arg0: i32, %arg1: i32, %arg2: memref<6400x128xi32, #tpu.memory_space<hbm>>, %arg3: memref<100000x128xf32, #tpu.memory_space<hbm>>, %arg4: memref<819200x128xf32, #tpu.memory_space<hbm>>, %arg5: memref<200x128xi32, #tpu.memory_space<vmem>>, %arg6: memref<384x128xf32, #tpu.memory_space<vmem>>, %arg7: memref<384x128xf32, #tpu.memory_space<vmem>>, %arg8: memref<!tpu.dma_semaphore, #tpu.memory_space<semaphore_mem>>, %arg9: memref<!tpu.dma_semaphore, #tpu.memory_space<semaphore_mem>>, %arg10: memref<!tpu.dma_semaphore, #tpu.memory_space<semaphore_mem>>, %arg11: memref<!tpu.dma_semaphore, #tpu.memory_space<semaphore_mem>>) attributes {dimension_semantics = [#tpu.dimension_semantics<core_parallel>, #tpu.dimension_semantics<subcore_parallel>], iteration_bounds = array<i64: 2, 16>, scalar_prefetch = 0 : i64, scratch_operands = 7 : i64, tpu.core_type = #tpu.core_type<sc_vector_subcore>, window_params = [{transform_indices = #map}, {transform_indices = #map}, {transform_indices = #map}]} {
    %mul3A = arith.constant 2 : i32
    %mul3A_0 = arith.muli %arg1, %mul3A : i32
    %add3A = arith.addi %mul3A_0, %arg0 : i32
    %mul3A_1 = arith.constant 200 : i32
    %mul3A_2 = arith.muli %add3A, %mul3A_1 : i32
    "tpu.region"() ({
      %run_scoped3A = tpu.sem_alloc : memref<!tpu.dma_semaphore, #tpu.memory_space<semaphore_mem>>
      %dma_start3A_426 = arith.constant 0 : i32
      %dma_start3A_427 = tpu.memref_slice %arg2[%mul3A_2, %dma_start3A_426] : memref<6400x128xi32, #tpu.memory_space<hbm>> -> memref<200x128xi32, #tpu.memory_space<hbm>>
      %dma_start3A_428 = arith.constant 0 : i32
      %dma_start3A_429 = tpu.memref_slice %arg2[%mul3A_2, %dma_start3A_428] : memref<6400x128xi32, #tpu.memory_space<hbm>> -> memref<200x128xi32, #tpu.memory_space<hbm>>
      tpu.enqueue_dma source(%dma_start3A_429 : memref<200x128xi32, #tpu.memory_space<hbm>>) target(%arg5 : memref<200x128xi32, #tpu.memory_space<vmem>>) target_semaphore(%run_scoped3A : memref<!tpu.dma_semaphore, #tpu.memory_space<semaphore_mem>>)
      %dma_wait3A_430 = arith.constant 0 : i32
      %dma_wait3A_431 = tpu.memref_slice %arg2[%mul3A_2, %dma_wait3A_430] : memref<6400x128xi32, #tpu.memory_space<hbm>> -> memref<200x128xi32, #tpu.memory_space<hbm>>
      %dma_wait3A_432 = arith.constant 0 : i32
      %dma_wait3A_433 = tpu.memref_slice %arg2[%mul3A_2, %dma_wait3A_432] : memref<6400x128xi32, #tpu.memory_space<hbm>> -> memref<200x128xi32, #tpu.memory_space<hbm>>
      tpu.wait_dma2 semaphore(%run_scoped3A : memref<!tpu.dma_semaphore, #tpu.memory_space<semaphore_mem>>) src(%dma_wait3A_433 : memref<200x128xi32, #tpu.memory_space<hbm>>) dst(%arg5 : memref<200x128xi32, #tpu.memory_space<vmem>>)
      tpu.yield
    }) : () -> ()
    %dma_start3A = arith.constant 0 : i32
    %dma_start3A_3 = arith.constant 0 : i32
    %dma_start3A_4 = arith.constant 0 : i32
    %dma_start3A_5 = tpu.memref_slice %arg6[%dma_start3A_3, %dma_start3A_4] : memref<384x128xf32, #tpu.memory_space<vmem>> -> memref<128x128xf32, #tpu.memory_space<vmem>>
    %dma_start3A_6 = arith.constant 0 : i32
    %dma_start3A_7 = tpu.memref_slice %arg5[%dma_start3A, %dma_start3A_6] : memref<200x128xi32, #tpu.memory_space<vmem>> -> memref<1x128xi32, #tpu.memory_space<vmem>>
    %dma_start3A_8 = tpu.memref_squeeze %dma_start3A_7 : memref<1x128xi32, #tpu.memory_space<vmem>> -> memref<128xi32, #tpu.memory_space<vmem>>
    %dma_start3A_9 = arith.constant 0 : i32
    %dma_start3A_10 = arith.constant 0 : i32
    %dma_start3A_11 = tpu.memref_slice %arg3[%dma_start3A_9, %dma_start3A_10] : memref<100000x128xf32, #tpu.memory_space<hbm>> -> memref<100000x128xf32, #tpu.memory_space<hbm>>
    tpu.enqueue_indirect_dma source(%dma_start3A_11 : memref<100000x128xf32, #tpu.memory_space<hbm>>) target(%dma_start3A_5 : memref<128x128xf32, #tpu.memory_space<vmem>>) offsets(%dma_start3A_8 : memref<128xi32, #tpu.memory_space<vmem>>) semaphore(%arg8 : memref<!tpu.dma_semaphore, #tpu.memory_space<semaphore_mem>>)
    %dma_start3A_12 = arith.constant 1 : i32
    %dma_start3A_13 = arith.constant 128 : i32
    %dma_start3A_14 = arith.constant 0 : i32
    %dma_start3A_15 = tpu.memref_slice %arg6[%dma_start3A_13, %dma_start3A_14] : memref<384x128xf32, #tpu.memory_space<vmem>> -> memref<128x128xf32, #tpu.memory_space<vmem>>
    %dma_start3A_16 = arith.constant 0 : i32
    %dma_start3A_17 = tpu.memref_slice %arg5[%dma_start3A_12, %dma_start3A_16] : memref<200x128xi32, #tpu.memory_space<vmem>> -> memref<1x128xi32, #tpu.memory_space<vmem>>
    %dma_start3A_18 = tpu.memref_squeeze %dma_start3A_17 : memref<1x128xi32, #tpu.memory_space<vmem>> -> memref<128xi32, #tpu.memory_space<vmem>>
    %dma_start3A_19 = arith.constant 0 : i32
    %dma_start3A_20 = arith.constant 0 : i32
    %dma_start3A_21 = tpu.memref_slice %arg3[%dma_start3A_19, %dma_start3A_20] : memref<100000x128xf32, #tpu.memory_space<hbm>> -> memref<100000x128xf32, #tpu.memory_space<hbm>>
    tpu.enqueue_indirect_dma source(%dma_start3A_21 : memref<100000x128xf32, #tpu.memory_space<hbm>>) target(%dma_start3A_15 : memref<128x128xf32, #tpu.memory_space<vmem>>) offsets(%dma_start3A_18 : memref<128xi32, #tpu.memory_space<vmem>>) semaphore(%arg8 : memref<!tpu.dma_semaphore, #tpu.memory_space<semaphore_mem>>)
    %dma_start3A_22 = arith.constant 2 : i32
    %dma_start3A_23 = arith.constant 256 : i32
    %dma_start3A_24 = arith.constant 0 : i32
    %dma_start3A_25 = tpu.memref_slice %arg6[%dma_start3A_23, %dma_start3A_24] : memref<384x128xf32, #tpu.memory_space<vmem>> -> memref<128x128xf32, #tpu.memory_space<vmem>>
    %dma_start3A_26 = arith.constant 0 : i32
    %dma_start3A_27 = tpu.memref_slice %arg5[%dma_start3A_22, %dma_start3A_26] : memref<200x128xi32, #tpu.memory_space<vmem>> -> memref<1x128xi32, #tpu.memory_space<vmem>>
    %dma_start3A_28 = tpu.memref_squeeze %dma_start3A_27 : memref<1x128xi32, #tpu.memory_space<vmem>> -> memref<128xi32, #tpu.memory_space<vmem>>
    %dma_start3A_29 = arith.constant 0 : i32
    %dma_start3A_30 = arith.constant 0 : i32
    %dma_start3A_31 = tpu.memref_slice %arg3[%dma_start3A_29, %dma_start3A_30] : memref<100000x128xf32, #tpu.memory_space<hbm>> -> memref<100000x128xf32, #tpu.memory_space<hbm>>
    tpu.enqueue_indirect_dma source(%dma_start3A_31 : memref<100000x128xf32, #tpu.memory_space<hbm>>) target(%dma_start3A_25 : memref<128x128xf32, #tpu.memory_space<vmem>>) offsets(%dma_start3A_28 : memref<128xi32, #tpu.memory_space<vmem>>) semaphore(%arg8 : memref<!tpu.dma_semaphore, #tpu.memory_space<semaphore_mem>>)
    %dma_wait3A = arith.constant 0 : i32
    %dma_wait3A_32 = arith.constant 0 : i32
    %dma_wait3A_33 = arith.constant 0 : i32
    %dma_wait3A_34 = tpu.memref_slice %arg6[%dma_wait3A_32, %dma_wait3A_33] : memref<384x128xf32, #tpu.memory_space<vmem>> -> memref<128x128xf32, #tpu.memory_space<vmem>>
    %dma_wait3A_35 = arith.constant 0 : i32
    %dma_wait3A_36 = tpu.memref_slice %arg5[%dma_wait3A, %dma_wait3A_35] : memref<200x128xi32, #tpu.memory_space<vmem>> -> memref<1x128xi32, #tpu.memory_space<vmem>>
    %dma_wait3A_37 = tpu.memref_squeeze %dma_wait3A_36 : memref<1x128xi32, #tpu.memory_space<vmem>> -> memref<128xi32, #tpu.memory_space<vmem>>
    %dma_wait3A_38 = arith.constant 0 : i32
    %dma_wait3A_39 = arith.constant 0 : i32
    %dma_wait3A_40 = tpu.memref_slice %arg3[%dma_wait3A_38, %dma_wait3A_39] : memref<100000x128xf32, #tpu.memory_space<hbm>> -> memref<100000x128xf32, #tpu.memory_space<hbm>>
    tpu.wait_indirect_dma semaphore(%arg8 : memref<!tpu.dma_semaphore, #tpu.memory_space<semaphore_mem>>) src(%dma_wait3A_40 : memref<100000x128xf32, #tpu.memory_space<hbm>>) dst(%dma_wait3A_34 : memref<128x128xf32, #tpu.memory_space<vmem>>)
    %dma_wait3A_41 = arith.constant 1 : i32
    %dma_wait3A_42 = arith.constant 128 : i32
    %dma_wait3A_43 = arith.constant 0 : i32
    %dma_wait3A_44 = tpu.memref_slice %arg6[%dma_wait3A_42, %dma_wait3A_43] : memref<384x128xf32, #tpu.memory_space<vmem>> -> memref<128x128xf32, #tpu.memory_space<vmem>>
    %dma_wait3A_45 = arith.constant 0 : i32
    %dma_wait3A_46 = tpu.memref_slice %arg5[%dma_wait3A_41, %dma_wait3A_45] : memref<200x128xi32, #tpu.memory_space<vmem>> -> memref<1x128xi32, #tpu.memory_space<vmem>>
    %dma_wait3A_47 = tpu.memref_squeeze %dma_wait3A_46 : memref<1x128xi32, #tpu.memory_space<vmem>> -> memref<128xi32, #tpu.memory_space<vmem>>
    %dma_wait3A_48 = arith.constant 0 : i32
    %dma_wait3A_49 = arith.constant 0 : i32
    %dma_wait3A_50 = tpu.memref_slice %arg3[%dma_wait3A_48, %dma_wait3A_49] : memref<100000x128xf32, #tpu.memory_space<hbm>> -> memref<100000x128xf32, #tpu.memory_space<hbm>>
    tpu.wait_indirect_dma semaphore(%arg8 : memref<!tpu.dma_semaphore, #tpu.memory_space<semaphore_mem>>) src(%dma_wait3A_50 : memref<100000x128xf32, #tpu.memory_space<hbm>>) dst(%dma_wait3A_44 : memref<128x128xf32, #tpu.memory_space<vmem>>)
    %dma_wait3A_51 = arith.constant 2 : i32
    %dma_wait3A_52 = arith.constant 256 : i32
    %dma_wait3A_53 = arith.constant 0 : i32
    %dma_wait3A_54 = tpu.memref_slice %arg6[%dma_wait3A_52, %dma_wait3A_53] : memref<384x128xf32, #tpu.memory_space<vmem>> -> memref<128x128xf32, #tpu.memory_space<vmem>>
    %dma_wait3A_55 = arith.constant 0 : i32
    %dma_wait3A_56 = tpu.memref_slice %arg5[%dma_wait3A_51, %dma_wait3A_55] : memref<200x128xi32, #tpu.memory_space<vmem>> -> memref<1x128xi32, #tpu.memory_space<vmem>>
    %dma_wait3A_57 = tpu.memref_squeeze %dma_wait3A_56 : memref<1x128xi32, #tpu.memory_space<vmem>> -> memref<128xi32, #tpu.memory_space<vmem>>
    %dma_wait3A_58 = arith.constant 0 : i32
    %dma_wait3A_59 = arith.constant 0 : i32
    %dma_wait3A_60 = tpu.memref_slice %arg3[%dma_wait3A_58, %dma_wait3A_59] : memref<100000x128xf32, #tpu.memory_space<hbm>> -> memref<100000x128xf32, #tpu.memory_space<hbm>>
    tpu.wait_indirect_dma semaphore(%arg8 : memref<!tpu.dma_semaphore, #tpu.memory_space<semaphore_mem>>) src(%dma_wait3A_60 : memref<100000x128xf32, #tpu.memory_space<hbm>>) dst(%dma_wait3A_54 : memref<128x128xf32, #tpu.memory_space<vmem>>)
    %add3A_61 = arith.constant 0 : i32
    %add3A_62 = arith.addi %mul3A_2, %add3A_61 : i32
    %mul3A_63 = arith.constant 128 : i32
    %mul3A_64 = arith.muli %add3A_62, %mul3A_63 : i32
    %dma_start3A_65 = arith.constant 0 : i32
    %dma_start3A_66 = arith.constant 0 : i32
    %dma_start3A_67 = tpu.memref_slice %arg6[%dma_start3A_65, %dma_start3A_66] : memref<384x128xf32, #tpu.memory_space<vmem>> -> memref<384x128xf32, #tpu.memory_space<vmem>>
    %dma_start3A_68 = arith.constant 0 : i32
    %dma_start3A_69 = tpu.memref_slice %arg4[%mul3A_64, %dma_start3A_68] : memref<819200x128xf32, #tpu.memory_space<hbm>> -> memref<384x128xf32, #tpu.memory_space<hbm>>
    %dma_start3A_70 = arith.constant 0 : i32
    %dma_start3A_71 = tpu.memref_slice %arg4[%mul3A_64, %dma_start3A_70] : memref<819200x128xf32, #tpu.memory_space<hbm>> -> memref<384x128xf32, #tpu.memory_space<hbm>>
    %dma_start3A_72 = arith.constant 0 : i32
    %dma_start3A_73 = arith.constant 0 : i32
    %dma_start3A_74 = tpu.memref_slice %arg6[%dma_start3A_72, %dma_start3A_73] : memref<384x128xf32, #tpu.memory_space<vmem>> -> memref<384x128xf32, #tpu.memory_space<vmem>>
    tpu.enqueue_dma source(%dma_start3A_74 : memref<384x128xf32, #tpu.memory_space<vmem>>) target(%dma_start3A_71 : memref<384x128xf32, #tpu.memory_space<hbm>>) target_semaphore(%arg10 : memref<!tpu.dma_semaphore, #tpu.memory_space<semaphore_mem>>)
    %dma_start3A_75 = arith.constant 3 : i32
    %dma_start3A_76 = arith.constant 0 : i32
    %dma_start3A_77 = arith.constant 0 : i32
    %dma_start3A_78 = tpu.memref_slice %arg7[%dma_start3A_76, %dma_start3A_77] : memref<384x128xf32, #tpu.memory_space<vmem>> -> memref<128x128xf32, #tpu.memory_space<vmem>>
    %dma_start3A_79 = arith.constant 0 : i32
    %dma_start3A_80 = tpu.memref_slice %arg5[%dma_start3A_75, %dma_start3A_79] : memref<200x128xi32, #tpu.memory_space<vmem>> -> memref<1x128xi32, #tpu.memory_space<vmem>>
    %dma_start3A_81 = tpu.memref_squeeze %dma_start3A_80 : memref<1x128xi32, #tpu.memory_space<vmem>> -> memref<128xi32, #tpu.memory_space<vmem>>
    %dma_start3A_82 = arith.constant 0 : i32
    %dma_start3A_83 = arith.constant 0 : i32
    %dma_start3A_84 = tpu.memref_slice %arg3[%dma_start3A_82, %dma_start3A_83] : memref<100000x128xf32, #tpu.memory_space<hbm>> -> memref<100000x128xf32, #tpu.memory_space<hbm>>
    tpu.enqueue_indirect_dma source(%dma_start3A_84 : memref<100000x128xf32, #tpu.memory_space<hbm>>) target(%dma_start3A_78 : memref<128x128xf32, #tpu.memory_space<vmem>>) offsets(%dma_start3A_81 : memref<128xi32, #tpu.memory_space<vmem>>) semaphore(%arg9 : memref<!tpu.dma_semaphore, #tpu.memory_space<semaphore_mem>>)
    %dma_start3A_85 = arith.constant 4 : i32
    %dma_start3A_86 = arith.constant 128 : i32
    %dma_start3A_87 = arith.constant 0 : i32
    %dma_start3A_88 = tpu.memref_slice %arg7[%dma_start3A_86, %dma_start3A_87] : memref<384x128xf32, #tpu.memory_space<vmem>> -> memref<128x128xf32, #tpu.memory_space<vmem>>
    %dma_start3A_89 = arith.constant 0 : i32
    %dma_start3A_90 = tpu.memref_slice %arg5[%dma_start3A_85, %dma_start3A_89] : memref<200x128xi32, #tpu.memory_space<vmem>> -> memref<1x128xi32, #tpu.memory_space<vmem>>
    %dma_start3A_91 = tpu.memref_squeeze %dma_start3A_90 : memref<1x128xi32, #tpu.memory_space<vmem>> -> memref<128xi32, #tpu.memory_space<vmem>>
    %dma_start3A_92 = arith.constant 0 : i32
    %dma_start3A_93 = arith.constant 0 : i32
    %dma_start3A_94 = tpu.memref_slice %arg3[%dma_start3A_92, %dma_start3A_93] : memref<100000x128xf32, #tpu.memory_space<hbm>> -> memref<100000x128xf32, #tpu.memory_space<hbm>>
    tpu.enqueue_indirect_dma source(%dma_start3A_94 : memref<100000x128xf32, #tpu.memory_space<hbm>>) target(%dma_start3A_88 : memref<128x128xf32, #tpu.memory_space<vmem>>) offsets(%dma_start3A_91 : memref<128xi32, #tpu.memory_space<vmem>>) semaphore(%arg9 : memref<!tpu.dma_semaphore, #tpu.memory_space<semaphore_mem>>)
    %dma_start3A_95 = arith.constant 5 : i32
    %dma_start3A_96 = arith.constant 256 : i32
    %dma_start3A_97 = arith.constant 0 : i32
    %dma_start3A_98 = tpu.memref_slice %arg7[%dma_start3A_96, %dma_start3A_97] : memref<384x128xf32, #tpu.memory_space<vmem>> -> memref<128x128xf32, #tpu.memory_space<vmem>>
    %dma_start3A_99 = arith.constant 0 : i32
    %dma_start3A_100 = tpu.memref_slice %arg5[%dma_start3A_95, %dma_start3A_99] : memref<200x128xi32, #tpu.memory_space<vmem>> -> memref<1x128xi32, #tpu.memory_space<vmem>>
    %dma_start3A_101 = tpu.memref_squeeze %dma_start3A_100 : memref<1x128xi32, #tpu.memory_space<vmem>> -> memref<128xi32, #tpu.memory_space<vmem>>
    %dma_start3A_102 = arith.constant 0 : i32
    %dma_start3A_103 = arith.constant 0 : i32
    %dma_start3A_104 = tpu.memref_slice %arg3[%dma_start3A_102, %dma_start3A_103] : memref<100000x128xf32, #tpu.memory_space<hbm>> -> memref<100000x128xf32, #tpu.memory_space<hbm>>
    tpu.enqueue_indirect_dma source(%dma_start3A_104 : memref<100000x128xf32, #tpu.memory_space<hbm>>) target(%dma_start3A_98 : memref<128x128xf32, #tpu.memory_space<vmem>>) offsets(%dma_start3A_101 : memref<128xi32, #tpu.memory_space<vmem>>) semaphore(%arg9 : memref<!tpu.dma_semaphore, #tpu.memory_space<semaphore_mem>>)
    %dma_wait3A_105 = arith.constant 3 : i32
    %dma_wait3A_106 = arith.constant 0 : i32
    %dma_wait3A_107 = arith.constant 0 : i32
    %dma_wait3A_108 = tpu.memref_slice %arg7[%dma_wait3A_106, %dma_wait3A_107] : memref<384x128xf32, #tpu.memory_space<vmem>> -> memref<128x128xf32, #tpu.memory_space<vmem>>
    %dma_wait3A_109 = arith.constant 0 : i32
    %dma_wait3A_110 = tpu.memref_slice %arg5[%dma_wait3A_105, %dma_wait3A_109] : memref<200x128xi32, #tpu.memory_space<vmem>> -> memref<1x128xi32, #tpu.memory_space<vmem>>
    %dma_wait3A_111 = tpu.memref_squeeze %dma_wait3A_110 : memref<1x128xi32, #tpu.memory_space<vmem>> -> memref<128xi32, #tpu.memory_space<vmem>>
    %dma_wait3A_112 = arith.constant 0 : i32
    %dma_wait3A_113 = arith.constant 0 : i32
    %dma_wait3A_114 = tpu.memref_slice %arg3[%dma_wait3A_112, %dma_wait3A_113] : memref<100000x128xf32, #tpu.memory_space<hbm>> -> memref<100000x128xf32, #tpu.memory_space<hbm>>
    tpu.wait_indirect_dma semaphore(%arg9 : memref<!tpu.dma_semaphore, #tpu.memory_space<semaphore_mem>>) src(%dma_wait3A_114 : memref<100000x128xf32, #tpu.memory_space<hbm>>) dst(%dma_wait3A_108 : memref<128x128xf32, #tpu.memory_space<vmem>>)
    %dma_wait3A_115 = arith.constant 4 : i32
    %dma_wait3A_116 = arith.constant 128 : i32
    %dma_wait3A_117 = arith.constant 0 : i32
    %dma_wait3A_118 = tpu.memref_slice %arg7[%dma_wait3A_116, %dma_wait3A_117] : memref<384x128xf32, #tpu.memory_space<vmem>> -> memref<128x128xf32, #tpu.memory_space<vmem>>
    %dma_wait3A_119 = arith.constant 0 : i32
    %dma_wait3A_120 = tpu.memref_slice %arg5[%dma_wait3A_115, %dma_wait3A_119] : memref<200x128xi32, #tpu.memory_space<vmem>> -> memref<1x128xi32, #tpu.memory_space<vmem>>
    %dma_wait3A_121 = tpu.memref_squeeze %dma_wait3A_120 : memref<1x128xi32, #tpu.memory_space<vmem>> -> memref<128xi32, #tpu.memory_space<vmem>>
    %dma_wait3A_122 = arith.constant 0 : i32
    %dma_wait3A_123 = arith.constant 0 : i32
    %dma_wait3A_124 = tpu.memref_slice %arg3[%dma_wait3A_122, %dma_wait3A_123] : memref<100000x128xf32, #tpu.memory_space<hbm>> -> memref<100000x128xf32, #tpu.memory_space<hbm>>
    tpu.wait_indirect_dma semaphore(%arg9 : memref<!tpu.dma_semaphore, #tpu.memory_space<semaphore_mem>>) src(%dma_wait3A_124 : memref<100000x128xf32, #tpu.memory_space<hbm>>) dst(%dma_wait3A_118 : memref<128x128xf32, #tpu.memory_space<vmem>>)
    %dma_wait3A_125 = arith.constant 5 : i32
    %dma_wait3A_126 = arith.constant 256 : i32
    %dma_wait3A_127 = arith.constant 0 : i32
    %dma_wait3A_128 = tpu.memref_slice %arg7[%dma_wait3A_126, %dma_wait3A_127] : memref<384x128xf32, #tpu.memory_space<vmem>> -> memref<128x128xf32, #tpu.memory_space<vmem>>
    %dma_wait3A_129 = arith.constant 0 : i32
    %dma_wait3A_130 = tpu.memref_slice %arg5[%dma_wait3A_125, %dma_wait3A_129] : memref<200x128xi32, #tpu.memory_space<vmem>> -> memref<1x128xi32, #tpu.memory_space<vmem>>
    %dma_wait3A_131 = tpu.memref_squeeze %dma_wait3A_130 : memref<1x128xi32, #tpu.memory_space<vmem>> -> memref<128xi32, #tpu.memory_space<vmem>>
    %dma_wait3A_132 = arith.constant 0 : i32
    %dma_wait3A_133 = arith.constant 0 : i32
    %dma_wait3A_134 = tpu.memref_slice %arg3[%dma_wait3A_132, %dma_wait3A_133] : memref<100000x128xf32, #tpu.memory_space<hbm>> -> memref<100000x128xf32, #tpu.memory_space<hbm>>
    tpu.wait_indirect_dma semaphore(%arg9 : memref<!tpu.dma_semaphore, #tpu.memory_space<semaphore_mem>>) src(%dma_wait3A_134 : memref<100000x128xf32, #tpu.memory_space<hbm>>) dst(%dma_wait3A_128 : memref<128x128xf32, #tpu.memory_space<vmem>>)
    %add3A_135 = arith.constant 3 : i32
    %add3A_136 = arith.addi %mul3A_2, %add3A_135 : i32
    %mul3A_137 = arith.constant 128 : i32
    %mul3A_138 = arith.muli %add3A_136, %mul3A_137 : i32
    %dma_start3A_139 = arith.constant 0 : i32
    %dma_start3A_140 = arith.constant 0 : i32
    %dma_start3A_141 = tpu.memref_slice %arg7[%dma_start3A_139, %dma_start3A_140] : memref<384x128xf32, #tpu.memory_space<vmem>> -> memref<384x128xf32, #tpu.memory_space<vmem>>
    %dma_start3A_142 = arith.constant 0 : i32
    %dma_start3A_143 = tpu.memref_slice %arg4[%mul3A_138, %dma_start3A_142] : memref<819200x128xf32, #tpu.memory_space<hbm>> -> memref<384x128xf32, #tpu.memory_space<hbm>>
    %dma_start3A_144 = arith.constant 0 : i32
    %dma_start3A_145 = tpu.memref_slice %arg4[%mul3A_138, %dma_start3A_144] : memref<819200x128xf32, #tpu.memory_space<hbm>> -> memref<384x128xf32, #tpu.memory_space<hbm>>
    %dma_start3A_146 = arith.constant 0 : i32
    %dma_start3A_147 = arith.constant 0 : i32
    %dma_start3A_148 = tpu.memref_slice %arg7[%dma_start3A_146, %dma_start3A_147] : memref<384x128xf32, #tpu.memory_space<vmem>> -> memref<384x128xf32, #tpu.memory_space<vmem>>
    tpu.enqueue_dma source(%dma_start3A_148 : memref<384x128xf32, #tpu.memory_space<vmem>>) target(%dma_start3A_145 : memref<384x128xf32, #tpu.memory_space<hbm>>) target_semaphore(%arg11 : memref<!tpu.dma_semaphore, #tpu.memory_space<semaphore_mem>>)
    %add3A_149 = arith.constant 0 : i32
    %add3A_150 = arith.addi %mul3A_2, %add3A_149 : i32
    %mul3A_151 = arith.constant 128 : i32
    %mul3A_152 = arith.muli %add3A_150, %mul3A_151 : i32
    %dma_wait3A_153 = arith.constant 0 : i32
    %dma_wait3A_154 = arith.constant 0 : i32
    %dma_wait3A_155 = tpu.memref_slice %arg6[%dma_wait3A_153, %dma_wait3A_154] : memref<384x128xf32, #tpu.memory_space<vmem>> -> memref<384x128xf32, #tpu.memory_space<vmem>>
    %dma_wait3A_156 = arith.constant 0 : i32
    %dma_wait3A_157 = tpu.memref_slice %arg4[%mul3A_152, %dma_wait3A_156] : memref<819200x128xf32, #tpu.memory_space<hbm>> -> memref<384x128xf32, #tpu.memory_space<hbm>>
    %dma_wait3A_158 = arith.constant 0 : i32
    %dma_wait3A_159 = tpu.memref_slice %arg4[%mul3A_152, %dma_wait3A_158] : memref<819200x128xf32, #tpu.memory_space<hbm>> -> memref<384x128xf32, #tpu.memory_space<hbm>>
    %dma_wait3A_160 = arith.constant 0 : i32
    %dma_wait3A_161 = arith.constant 0 : i32
    %dma_wait3A_162 = tpu.memref_slice %arg6[%dma_wait3A_160, %dma_wait3A_161] : memref<384x128xf32, #tpu.memory_space<vmem>> -> memref<384x128xf32, #tpu.memory_space<vmem>>
    tpu.wait_dma2 semaphore(%arg10 : memref<!tpu.dma_semaphore, #tpu.memory_space<semaphore_mem>>) src(%dma_wait3A_162 : memref<384x128xf32, #tpu.memory_space<vmem>>) dst(%dma_wait3A_159 : memref<384x128xf32, #tpu.memory_space<hbm>>)
    %dma_start3A_163 = arith.constant 6 : i32
    %dma_start3A_164 = arith.constant 0 : i32
    %dma_start3A_165 = arith.constant 0 : i32
    %dma_start3A_166 = tpu.memref_slice %arg6[%dma_start3A_164, %dma_start3A_165] : memref<384x128xf32, #tpu.memory_space<vmem>> -> memref<128x128xf32, #tpu.memory_space<vmem>>
    %dma_start3A_167 = arith.constant 0 : i32
    %dma_start3A_168 = tpu.memref_slice %arg5[%dma_start3A_163, %dma_start3A_167] : memref<200x128xi32, #tpu.memory_space<vmem>> -> memref<1x128xi32, #tpu.memory_space<vmem>>
    %dma_start3A_169 = tpu.memref_squeeze %dma_start3A_168 : memref<1x128xi32, #tpu.memory_space<vmem>> -> memref<128xi32, #tpu.memory_space<vmem>>
    %dma_start3A_170 = arith.constant 0 : i32
    %dma_start3A_171 = arith.constant 0 : i32
    %dma_start3A_172 = tpu.memref_slice %arg3[%dma_start3A_170, %dma_start3A_171] : memref<100000x128xf32, #tpu.memory_space<hbm>> -> memref<100000x128xf32, #tpu.memory_space<hbm>>
    tpu.enqueue_indirect_dma source(%dma_start3A_172 : memref<100000x128xf32, #tpu.memory_space<hbm>>) target(%dma_start3A_166 : memref<128x128xf32, #tpu.memory_space<vmem>>) offsets(%dma_start3A_169 : memref<128xi32, #tpu.memory_space<vmem>>) semaphore(%arg8 : memref<!tpu.dma_semaphore, #tpu.memory_space<semaphore_mem>>)
    %dma_start3A_173 = arith.constant 7 : i32
    %dma_start3A_174 = arith.constant 128 : i32
    %dma_start3A_175 = arith.constant 0 : i32
    %dma_start3A_176 = tpu.memref_slice %arg6[%dma_start3A_174, %dma_start3A_175] : memref<384x128xf32, #tpu.memory_space<vmem>> -> memref<128x128xf32, #tpu.memory_space<vmem>>
    %dma_start3A_177 = arith.constant 0 : i32
    %dma_start3A_178 = tpu.memref_slice %arg5[%dma_start3A_173, %dma_start3A_177] : memref<200x128xi32, #tpu.memory_space<vmem>> -> memref<1x128xi32, #tpu.memory_space<vmem>>
    %dma_start3A_179 = tpu.memref_squeeze %dma_start3A_178 : memref<1x128xi32, #tpu.memory_space<vmem>> -> memref<128xi32, #tpu.memory_space<vmem>>
    %dma_start3A_180 = arith.constant 0 : i32
    %dma_start3A_181 = arith.constant 0 : i32
    %dma_start3A_182 = tpu.memref_slice %arg3[%dma_start3A_180, %dma_start3A_181] : memref<100000x128xf32, #tpu.memory_space<hbm>> -> memref<100000x128xf32, #tpu.memory_space<hbm>>
    tpu.enqueue_indirect_dma source(%dma_start3A_182 : memref<100000x128xf32, #tpu.memory_space<hbm>>) target(%dma_start3A_176 : memref<128x128xf32, #tpu.memory_space<vmem>>) offsets(%dma_start3A_179 : memref<128xi32, #tpu.memory_space<vmem>>) semaphore(%arg8 : memref<!tpu.dma_semaphore, #tpu.memory_space<semaphore_mem>>)
    %dma_start3A_183 = arith.constant 8 : i32
    %dma_start3A_184 = arith.constant 256 : i32
    %dma_start3A_185 = arith.constant 0 : i32
    %dma_start3A_186 = tpu.memref_slice %arg6[%dma_start3A_184, %dma_start3A_185] : memref<384x128xf32, #tpu.memory_space<vmem>> -> memref<128x128xf32, #tpu.memory_space<vmem>>
    %dma_start3A_187 = arith.constant 0 : i32
    %dma_start3A_188 = tpu.memref_slice %arg5[%dma_start3A_183, %dma_start3A_187] : memref<200x128xi32, #tpu.memory_space<vmem>> -> memref<1x128xi32, #tpu.memory_space<vmem>>
    %dma_start3A_189 = tpu.memref_squeeze %dma_start3A_188 : memref<1x128xi32, #tpu.memory_space<vmem>> -> memref<128xi32, #tpu.memory_space<vmem>>
    %dma_start3A_190 = arith.constant 0 : i32
    %dma_start3A_191 = arith.constant 0 : i32
    %dma_start3A_192 = tpu.memref_slice %arg3[%dma_start3A_190, %dma_start3A_191] : memref<100000x128xf32, #tpu.memory_space<hbm>> -> memref<100000x128xf32, #tpu.memory_space<hbm>>
    tpu.enqueue_indirect_dma source(%dma_start3A_192 : memref<100000x128xf32, #tpu.memory_space<hbm>>) target(%dma_start3A_186 : memref<128x128xf32, #tpu.memory_space<vmem>>) offsets(%dma_start3A_189 : memref<128xi32, #tpu.memory_space<vmem>>) semaphore(%arg8 : memref<!tpu.dma_semaphore, #tpu.memory_space<semaphore_mem>>)
    %scan3A = arith.constant 0 : i32
    %scan3A_193 = arith.constant 0 : i32
    %scan3A_194 = arith.constant 31 : i32
    %scan3A_195 = arith.addi %scan3A_193, %scan3A_194 : i32
    %scan3A_196 = arith.constant 1 : i32
    scf.for %scan3A_426 = %scan3A_193 to %scan3A_195 step %scan3A_196  : i32 {
      %mul3A_427 = arith.constant 2 : i32
      %mul3A_428 = arith.muli %mul3A_427, %scan3A_426 : i32
      %add3A_429 = arith.constant 3 : i32
      %add3A_430 = arith.addi %mul3A_428, %add3A_429 : i32
      %sub3A = arith.constant 1 : i32
      %sub3A_431 = arith.subi %add3A_430, %sub3A : i32
      %mul3A_432 = arith.constant 3 : i32
      %mul3A_433 = arith.muli %sub3A_431, %mul3A_432 : i32
      %add3A_434 = arith.constant 0 : i32
      %add3A_435 = arith.addi %mul3A_433, %add3A_434 : i32
      %dma_wait3A_436 = arith.constant 0 : i32
      %dma_wait3A_437 = arith.constant 0 : i32
      %dma_wait3A_438 = tpu.memref_slice %arg6[%dma_wait3A_436, %dma_wait3A_437] : memref<384x128xf32, #tpu.memory_space<vmem>> -> memref<128x128xf32, #tpu.memory_space<vmem>>
      %dma_wait3A_439 = arith.constant 0 : i32
      %dma_wait3A_440 = tpu.memref_slice %arg5[%add3A_435, %dma_wait3A_439] : memref<200x128xi32, #tpu.memory_space<vmem>> -> memref<1x128xi32, #tpu.memory_space<vmem>>
      %dma_wait3A_441 = tpu.memref_squeeze %dma_wait3A_440 : memref<1x128xi32, #tpu.memory_space<vmem>> -> memref<128xi32, #tpu.memory_space<vmem>>
      %dma_wait3A_442 = arith.constant 0 : i32
      %dma_wait3A_443 = arith.constant 0 : i32
      %dma_wait3A_444 = tpu.memref_slice %arg3[%dma_wait3A_442, %dma_wait3A_443] : memref<100000x128xf32, #tpu.memory_space<hbm>> -> memref<100000x128xf32, #tpu.memory_space<hbm>>
      tpu.wait_indirect_dma semaphore(%arg8 : memref<!tpu.dma_semaphore, #tpu.memory_space<semaphore_mem>>) src(%dma_wait3A_444 : memref<100000x128xf32, #tpu.memory_space<hbm>>) dst(%dma_wait3A_438 : memref<128x128xf32, #tpu.memory_space<vmem>>)
      %mul3A_445 = arith.constant 3 : i32
      %mul3A_446 = arith.muli %sub3A_431, %mul3A_445 : i32
      %add3A_447 = arith.constant 1 : i32
      %add3A_448 = arith.addi %mul3A_446, %add3A_447 : i32
      %dma_wait3A_449 = arith.constant 128 : i32
      %dma_wait3A_450 = arith.constant 0 : i32
      %dma_wait3A_451 = tpu.memref_slice %arg6[%dma_wait3A_449, %dma_wait3A_450] : memref<384x128xf32, #tpu.memory_space<vmem>> -> memref<128x128xf32, #tpu.memory_space<vmem>>
      %dma_wait3A_452 = arith.constant 0 : i32
      %dma_wait3A_453 = tpu.memref_slice %arg5[%add3A_448, %dma_wait3A_452] : memref<200x128xi32, #tpu.memory_space<vmem>> -> memref<1x128xi32, #tpu.memory_space<vmem>>
      %dma_wait3A_454 = tpu.memref_squeeze %dma_wait3A_453 : memref<1x128xi32, #tpu.memory_space<vmem>> -> memref<128xi32, #tpu.memory_space<vmem>>
      %dma_wait3A_455 = arith.constant 0 : i32
      %dma_wait3A_456 = arith.constant 0 : i32
      %dma_wait3A_457 = tpu.memref_slice %arg3[%dma_wait3A_455, %dma_wait3A_456] : memref<100000x128xf32, #tpu.memory_space<hbm>> -> memref<100000x128xf32, #tpu.memory_space<hbm>>
      tpu.wait_indirect_dma semaphore(%arg8 : memref<!tpu.dma_semaphore, #tpu.memory_space<semaphore_mem>>) src(%dma_wait3A_457 : memref<100000x128xf32, #tpu.memory_space<hbm>>) dst(%dma_wait3A_451 : memref<128x128xf32, #tpu.memory_space<vmem>>)
      %mul3A_458 = arith.constant 3 : i32
      %mul3A_459 = arith.muli %sub3A_431, %mul3A_458 : i32
      %add3A_460 = arith.constant 2 : i32
      %add3A_461 = arith.addi %mul3A_459, %add3A_460 : i32
      %dma_wait3A_462 = arith.constant 256 : i32
      %dma_wait3A_463 = arith.constant 0 : i32
      %dma_wait3A_464 = tpu.memref_slice %arg6[%dma_wait3A_462, %dma_wait3A_463] : memref<384x128xf32, #tpu.memory_space<vmem>> -> memref<128x128xf32, #tpu.memory_space<vmem>>
      %dma_wait3A_465 = arith.constant 0 : i32
      %dma_wait3A_466 = tpu.memref_slice %arg5[%add3A_461, %dma_wait3A_465] : memref<200x128xi32, #tpu.memory_space<vmem>> -> memref<1x128xi32, #tpu.memory_space<vmem>>
      %dma_wait3A_467 = tpu.memref_squeeze %dma_wait3A_466 : memref<1x128xi32, #tpu.memory_space<vmem>> -> memref<128xi32, #tpu.memory_space<vmem>>
      %dma_wait3A_468 = arith.constant 0 : i32
      %dma_wait3A_469 = arith.constant 0 : i32
      %dma_wait3A_470 = tpu.memref_slice %arg3[%dma_wait3A_468, %dma_wait3A_469] : memref<100000x128xf32, #tpu.memory_space<hbm>> -> memref<100000x128xf32, #tpu.memory_space<hbm>>
      tpu.wait_indirect_dma semaphore(%arg8 : memref<!tpu.dma_semaphore, #tpu.memory_space<semaphore_mem>>) src(%dma_wait3A_470 : memref<100000x128xf32, #tpu.memory_space<hbm>>) dst(%dma_wait3A_464 : memref<128x128xf32, #tpu.memory_space<vmem>>)
      %sub3A_471 = arith.constant 1 : i32
      %sub3A_472 = arith.subi %add3A_430, %sub3A_471 : i32
      %mul3A_473 = arith.constant 3 : i32
      %mul3A_474 = arith.muli %sub3A_472, %mul3A_473 : i32
      %add3A_475 = arith.addi %mul3A_2, %mul3A_474 : i32
      %mul3A_476 = arith.constant 128 : i32
      %mul3A_477 = arith.muli %add3A_475, %mul3A_476 : i32
      %dma_start3A_478 = arith.constant 0 : i32
      %dma_start3A_479 = arith.constant 0 : i32
      %dma_start3A_480 = tpu.memref_slice %arg6[%dma_start3A_478, %dma_start3A_479] : memref<384x128xf32, #tpu.memory_space<vmem>> -> memref<384x128xf32, #tpu.memory_space<vmem>>
      %dma_start3A_481 = arith.constant 0 : i32
      %dma_start3A_482 = tpu.memref_slice %arg4[%mul3A_477, %dma_start3A_481] : memref<819200x128xf32, #tpu.memory_space<hbm>> -> memref<384x128xf32, #tpu.memory_space<hbm>>
      %dma_start3A_483 = arith.constant 0 : i32
      %dma_start3A_484 = tpu.memref_slice %arg4[%mul3A_477, %dma_start3A_483] : memref<819200x128xf32, #tpu.memory_space<hbm>> -> memref<384x128xf32, #tpu.memory_space<hbm>>
      %dma_start3A_485 = arith.constant 0 : i32
      %dma_start3A_486 = arith.constant 0 : i32
      %dma_start3A_487 = tpu.memref_slice %arg6[%dma_start3A_485, %dma_start3A_486] : memref<384x128xf32, #tpu.memory_space<vmem>> -> memref<384x128xf32, #tpu.memory_space<vmem>>
      tpu.enqueue_dma source(%dma_start3A_487 : memref<384x128xf32, #tpu.memory_space<vmem>>) target(%dma_start3A_484 : memref<384x128xf32, #tpu.memory_space<hbm>>) target_semaphore(%arg10 : memref<!tpu.dma_semaphore, #tpu.memory_space<semaphore_mem>>)
      %sub3A_488 = arith.constant 2 : i32
      %sub3A_489 = arith.subi %add3A_430, %sub3A_488 : i32
      %mul3A_490 = arith.constant 3 : i32
      %mul3A_491 = arith.muli %sub3A_489, %mul3A_490 : i32
      %add3A_492 = arith.addi %mul3A_2, %mul3A_491 : i32
      %mul3A_493 = arith.constant 128 : i32
      %mul3A_494 = arith.muli %add3A_492, %mul3A_493 : i32
      %dma_wait3A_495 = arith.constant 0 : i32
      %dma_wait3A_496 = arith.constant 0 : i32
      %dma_wait3A_497 = tpu.memref_slice %arg7[%dma_wait3A_495, %dma_wait3A_496] : memref<384x128xf32, #tpu.memory_space<vmem>> -> memref<384x128xf32, #tpu.memory_space<vmem>>
      %dma_wait3A_498 = arith.constant 0 : i32
      %dma_wait3A_499 = tpu.memref_slice %arg4[%mul3A_494, %dma_wait3A_498] : memref<819200x128xf32, #tpu.memory_space<hbm>> -> memref<384x128xf32, #tpu.memory_space<hbm>>
      %dma_wait3A_500 = arith.constant 0 : i32
      %dma_wait3A_501 = tpu.memref_slice %arg4[%mul3A_494, %dma_wait3A_500] : memref<819200x128xf32, #tpu.memory_space<hbm>> -> memref<384x128xf32, #tpu.memory_space<hbm>>
      %dma_wait3A_502 = arith.constant 0 : i32
      %dma_wait3A_503 = arith.constant 0 : i32
      %dma_wait3A_504 = tpu.memref_slice %arg7[%dma_wait3A_502, %dma_wait3A_503] : memref<384x128xf32, #tpu.memory_space<vmem>> -> memref<384x128xf32, #tpu.memory_space<vmem>>
      tpu.wait_dma2 semaphore(%arg11 : memref<!tpu.dma_semaphore, #tpu.memory_space<semaphore_mem>>) src(%dma_wait3A_504 : memref<384x128xf32, #tpu.memory_space<vmem>>) dst(%dma_wait3A_501 : memref<384x128xf32, #tpu.memory_space<hbm>>)
      %mul3A_505 = arith.constant 3 : i32
      %mul3A_506 = arith.muli %add3A_430, %mul3A_505 : i32
      %add3A_507 = arith.constant 0 : i32
      %add3A_508 = arith.addi %mul3A_506, %add3A_507 : i32
      %dma_start3A_509 = arith.constant 0 : i32
      %dma_start3A_510 = arith.constant 0 : i32
      %dma_start3A_511 = tpu.memref_slice %arg7[%dma_start3A_509, %dma_start3A_510] : memref<384x128xf32, #tpu.memory_space<vmem>> -> memref<128x128xf32, #tpu.memory_space<vmem>>
      %dma_start3A_512 = arith.constant 0 : i32
      %dma_start3A_513 = tpu.memref_slice %arg5[%add3A_508, %dma_start3A_512] : memref<200x128xi32, #tpu.memory_space<vmem>> -> memref<1x128xi32, #tpu.memory_space<vmem>>
      %dma_start3A_514 = tpu.memref_squeeze %dma_start3A_513 : memref<1x128xi32, #tpu.memory_space<vmem>> -> memref<128xi32, #tpu.memory_space<vmem>>
      %dma_start3A_515 = arith.constant 0 : i32
      %dma_start3A_516 = arith.constant 0 : i32
      %dma_start3A_517 = tpu.memref_slice %arg3[%dma_start3A_515, %dma_start3A_516] : memref<100000x128xf32, #tpu.memory_space<hbm>> -> memref<100000x128xf32, #tpu.memory_space<hbm>>
      tpu.enqueue_indirect_dma source(%dma_start3A_517 : memref<100000x128xf32, #tpu.memory_space<hbm>>) target(%dma_start3A_511 : memref<128x128xf32, #tpu.memory_space<vmem>>) offsets(%dma_start3A_514 : memref<128xi32, #tpu.memory_space<vmem>>) semaphore(%arg9 : memref<!tpu.dma_semaphore, #tpu.memory_space<semaphore_mem>>)
      %mul3A_518 = arith.constant 3 : i32
      %mul3A_519 = arith.muli %add3A_430, %mul3A_518 : i32
      %add3A_520 = arith.constant 1 : i32
      %add3A_521 = arith.addi %mul3A_519, %add3A_520 : i32
      %dma_start3A_522 = arith.constant 128 : i32
      %dma_start3A_523 = arith.constant 0 : i32
      %dma_start3A_524 = tpu.memref_slice %arg7[%dma_start3A_522, %dma_start3A_523] : memref<384x128xf32, #tpu.memory_space<vmem>> -> memref<128x128xf32, #tpu.memory_space<vmem>>
      %dma_start3A_525 = arith.constant 0 : i32
      %dma_start3A_526 = tpu.memref_slice %arg5[%add3A_521, %dma_start3A_525] : memref<200x128xi32, #tpu.memory_space<vmem>> -> memref<1x128xi32, #tpu.memory_space<vmem>>
      %dma_start3A_527 = tpu.memref_squeeze %dma_start3A_526 : memref<1x128xi32, #tpu.memory_space<vmem>> -> memref<128xi32, #tpu.memory_space<vmem>>
      %dma_start3A_528 = arith.constant 0 : i32
      %dma_start3A_529 = arith.constant 0 : i32
      %dma_start3A_530 = tpu.memref_slice %arg3[%dma_start3A_528, %dma_start3A_529] : memref<100000x128xf32, #tpu.memory_space<hbm>> -> memref<100000x128xf32, #tpu.memory_space<hbm>>
      tpu.enqueue_indirect_dma source(%dma_start3A_530 : memref<100000x128xf32, #tpu.memory_space<hbm>>) target(%dma_start3A_524 : memref<128x128xf32, #tpu.memory_space<vmem>>) offsets(%dma_start3A_527 : memref<128xi32, #tpu.memory_space<vmem>>) semaphore(%arg9 : memref<!tpu.dma_semaphore, #tpu.memory_space<semaphore_mem>>)
      %mul3A_531 = arith.constant 3 : i32
      %mul3A_532 = arith.muli %add3A_430, %mul3A_531 : i32
      %add3A_533 = arith.constant 2 : i32
      %add3A_534 = arith.addi %mul3A_532, %add3A_533 : i32
      %dma_start3A_535 = arith.constant 256 : i32
      %dma_start3A_536 = arith.constant 0 : i32
      %dma_start3A_537 = tpu.memref_slice %arg7[%dma_start3A_535, %dma_start3A_536] : memref<384x128xf32, #tpu.memory_space<vmem>> -> memref<128x128xf32, #tpu.memory_space<vmem>>
      %dma_start3A_538 = arith.constant 0 : i32
      %dma_start3A_539 = tpu.memref_slice %arg5[%add3A_534, %dma_start3A_538] : memref<200x128xi32, #tpu.memory_space<vmem>> -> memref<1x128xi32, #tpu.memory_space<vmem>>
      %dma_start3A_540 = tpu.memref_squeeze %dma_start3A_539 : memref<1x128xi32, #tpu.memory_space<vmem>> -> memref<128xi32, #tpu.memory_space<vmem>>
      %dma_start3A_541 = arith.constant 0 : i32
      %dma_start3A_542 = arith.constant 0 : i32
      %dma_start3A_543 = tpu.memref_slice %arg3[%dma_start3A_541, %dma_start3A_542] : memref<100000x128xf32, #tpu.memory_space<hbm>> -> memref<100000x128xf32, #tpu.memory_space<hbm>>
      tpu.enqueue_indirect_dma source(%dma_start3A_543 : memref<100000x128xf32, #tpu.memory_space<hbm>>) target(%dma_start3A_537 : memref<128x128xf32, #tpu.memory_space<vmem>>) offsets(%dma_start3A_540 : memref<128xi32, #tpu.memory_space<vmem>>) semaphore(%arg9 : memref<!tpu.dma_semaphore, #tpu.memory_space<semaphore_mem>>)
      %add3A_544 = arith.constant 1 : i32
      %add3A_545 = arith.addi %add3A_430, %add3A_544 : i32
      %sub3A_546 = arith.constant 1 : i32
      %sub3A_547 = arith.subi %add3A_545, %sub3A_546 : i32
      %mul3A_548 = arith.constant 3 : i32
      %mul3A_549 = arith.muli %sub3A_547, %mul3A_548 : i32
      %add3A_550 = arith.constant 0 : i32
      %add3A_551 = arith.addi %mul3A_549, %add3A_550 : i32
      %dma_wait3A_552 = arith.constant 0 : i32
      %dma_wait3A_553 = arith.constant 0 : i32
      %dma_wait3A_554 = tpu.memref_slice %arg7[%dma_wait3A_552, %dma_wait3A_553] : memref<384x128xf32, #tpu.memory_space<vmem>> -> memref<128x128xf32, #tpu.memory_space<vmem>>
      %dma_wait3A_555 = arith.constant 0 : i32
      %dma_wait3A_556 = tpu.memref_slice %arg5[%add3A_551, %dma_wait3A_555] : memref<200x128xi32, #tpu.memory_space<vmem>> -> memref<1x128xi32, #tpu.memory_space<vmem>>
      %dma_wait3A_557 = tpu.memref_squeeze %dma_wait3A_556 : memref<1x128xi32, #tpu.memory_space<vmem>> -> memref<128xi32, #tpu.memory_space<vmem>>
      %dma_wait3A_558 = arith.constant 0 : i32
      %dma_wait3A_559 = arith.constant 0 : i32
      %dma_wait3A_560 = tpu.memref_slice %arg3[%dma_wait3A_558, %dma_wait3A_559] : memref<100000x128xf32, #tpu.memory_space<hbm>> -> memref<100000x128xf32, #tpu.memory_space<hbm>>
      tpu.wait_indirect_dma semaphore(%arg9 : memref<!tpu.dma_semaphore, #tpu.memory_space<semaphore_mem>>) src(%dma_wait3A_560 : memref<100000x128xf32, #tpu.memory_space<hbm>>) dst(%dma_wait3A_554 : memref<128x128xf32, #tpu.memory_space<vmem>>)
      %mul3A_561 = arith.constant 3 : i32
      %mul3A_562 = arith.muli %sub3A_547, %mul3A_561 : i32
      %add3A_563 = arith.constant 1 : i32
      %add3A_564 = arith.addi %mul3A_562, %add3A_563 : i32
      %dma_wait3A_565 = arith.constant 128 : i32
      %dma_wait3A_566 = arith.constant 0 : i32
      %dma_wait3A_567 = tpu.memref_slice %arg7[%dma_wait3A_565, %dma_wait3A_566] : memref<384x128xf32, #tpu.memory_space<vmem>> -> memref<128x128xf32, #tpu.memory_space<vmem>>
      %dma_wait3A_568 = arith.constant 0 : i32
      %dma_wait3A_569 = tpu.memref_slice %arg5[%add3A_564, %dma_wait3A_568] : memref<200x128xi32, #tpu.memory_space<vmem>> -> memref<1x128xi32, #tpu.memory_space<vmem>>
      %dma_wait3A_570 = tpu.memref_squeeze %dma_wait3A_569 : memref<1x128xi32, #tpu.memory_space<vmem>> -> memref<128xi32, #tpu.memory_space<vmem>>
      %dma_wait3A_571 = arith.constant 0 : i32
      %dma_wait3A_572 = arith.constant 0 : i32
      %dma_wait3A_573 = tpu.memref_slice %arg3[%dma_wait3A_571, %dma_wait3A_572] : memref<100000x128xf32, #tpu.memory_space<hbm>> -> memref<100000x128xf32, #tpu.memory_space<hbm>>
      tpu.wait_indirect_dma semaphore(%arg9 : memref<!tpu.dma_semaphore, #tpu.memory_space<semaphore_mem>>) src(%dma_wait3A_573 : memref<100000x128xf32, #tpu.memory_space<hbm>>) dst(%dma_wait3A_567 : memref<128x128xf32, #tpu.memory_space<vmem>>)
      %mul3A_574 = arith.constant 3 : i32
      %mul3A_575 = arith.muli %sub3A_547, %mul3A_574 : i32
      %add3A_576 = arith.constant 2 : i32
      %add3A_577 = arith.addi %mul3A_575, %add3A_576 : i32
      %dma_wait3A_578 = arith.constant 256 : i32
      %dma_wait3A_579 = arith.constant 0 : i32
      %dma_wait3A_580 = tpu.memref_slice %arg7[%dma_wait3A_578, %dma_wait3A_579] : memref<384x128xf32, #tpu.memory_space<vmem>> -> memref<128x128xf32, #tpu.memory_space<vmem>>
      %dma_wait3A_581 = arith.constant 0 : i32
      %dma_wait3A_582 = tpu.memref_slice %arg5[%add3A_577, %dma_wait3A_581] : memref<200x128xi32, #tpu.memory_space<vmem>> -> memref<1x128xi32, #tpu.memory_space<vmem>>
      %dma_wait3A_583 = tpu.memref_squeeze %dma_wait3A_582 : memref<1x128xi32, #tpu.memory_space<vmem>> -> memref<128xi32, #tpu.memory_space<vmem>>
      %dma_wait3A_584 = arith.constant 0 : i32
      %dma_wait3A_585 = arith.constant 0 : i32
      %dma_wait3A_586 = tpu.memref_slice %arg3[%dma_wait3A_584, %dma_wait3A_585] : memref<100000x128xf32, #tpu.memory_space<hbm>> -> memref<100000x128xf32, #tpu.memory_space<hbm>>
      tpu.wait_indirect_dma semaphore(%arg9 : memref<!tpu.dma_semaphore, #tpu.memory_space<semaphore_mem>>) src(%dma_wait3A_586 : memref<100000x128xf32, #tpu.memory_space<hbm>>) dst(%dma_wait3A_580 : memref<128x128xf32, #tpu.memory_space<vmem>>)
      %sub3A_587 = arith.constant 1 : i32
      %sub3A_588 = arith.subi %add3A_545, %sub3A_587 : i32
      %mul3A_589 = arith.constant 3 : i32
      %mul3A_590 = arith.muli %sub3A_588, %mul3A_589 : i32
      %add3A_591 = arith.addi %mul3A_2, %mul3A_590 : i32
      %mul3A_592 = arith.constant 128 : i32
      %mul3A_593 = arith.muli %add3A_591, %mul3A_592 : i32
      %dma_start3A_594 = arith.constant 0 : i32
      %dma_start3A_595 = arith.constant 0 : i32
      %dma_start3A_596 = tpu.memref_slice %arg7[%dma_start3A_594, %dma_start3A_595] : memref<384x128xf32, #tpu.memory_space<vmem>> -> memref<384x128xf32, #tpu.memory_space<vmem>>
      %dma_start3A_597 = arith.constant 0 : i32
      %dma_start3A_598 = tpu.memref_slice %arg4[%mul3A_593, %dma_start3A_597] : memref<819200x128xf32, #tpu.memory_space<hbm>> -> memref<384x128xf32, #tpu.memory_space<hbm>>
      %dma_start3A_599 = arith.constant 0 : i32
      %dma_start3A_600 = tpu.memref_slice %arg4[%mul3A_593, %dma_start3A_599] : memref<819200x128xf32, #tpu.memory_space<hbm>> -> memref<384x128xf32, #tpu.memory_space<hbm>>
      %dma_start3A_601 = arith.constant 0 : i32
      %dma_start3A_602 = arith.constant 0 : i32
      %dma_start3A_603 = tpu.memref_slice %arg7[%dma_start3A_601, %dma_start3A_602] : memref<384x128xf32, #tpu.memory_space<vmem>> -> memref<384x128xf32, #tpu.memory_space<vmem>>
      tpu.enqueue_dma source(%dma_start3A_603 : memref<384x128xf32, #tpu.memory_space<vmem>>) target(%dma_start3A_600 : memref<384x128xf32, #tpu.memory_space<hbm>>) target_semaphore(%arg11 : memref<!tpu.dma_semaphore, #tpu.memory_space<semaphore_mem>>)
      %sub3A_604 = arith.constant 2 : i32
      %sub3A_605 = arith.subi %add3A_545, %sub3A_604 : i32
      %mul3A_606 = arith.constant 3 : i32
      %mul3A_607 = arith.muli %sub3A_605, %mul3A_606 : i32
      %add3A_608 = arith.addi %mul3A_2, %mul3A_607 : i32
      %mul3A_609 = arith.constant 128 : i32
      %mul3A_610 = arith.muli %add3A_608, %mul3A_609 : i32
      %dma_wait3A_611 = arith.constant 0 : i32
      %dma_wait3A_612 = arith.constant 0 : i32
      %dma_wait3A_613 = tpu.memref_slice %arg6[%dma_wait3A_611, %dma_wait3A_612] : memref<384x128xf32, #tpu.memory_space<vmem>> -> memref<384x128xf32, #tpu.memory_space<vmem>>
      %dma_wait3A_614 = arith.constant 0 : i32
      %dma_wait3A_615 = tpu.memref_slice %arg4[%mul3A_610, %dma_wait3A_614] : memref<819200x128xf32, #tpu.memory_space<hbm>> -> memref<384x128xf32, #tpu.memory_space<hbm>>
      %dma_wait3A_616 = arith.constant 0 : i32
      %dma_wait3A_617 = tpu.memref_slice %arg4[%mul3A_610, %dma_wait3A_616] : memref<819200x128xf32, #tpu.memory_space<hbm>> -> memref<384x128xf32, #tpu.memory_space<hbm>>
      %dma_wait3A_618 = arith.constant 0 : i32
      %dma_wait3A_619 = arith.constant 0 : i32
      %dma_wait3A_620 = tpu.memref_slice %arg6[%dma_wait3A_618, %dma_wait3A_619] : memref<384x128xf32, #tpu.memory_space<vmem>> -> memref<384x128xf32, #tpu.memory_space<vmem>>
      tpu.wait_dma2 semaphore(%arg10 : memref<!tpu.dma_semaphore, #tpu.memory_space<semaphore_mem>>) src(%dma_wait3A_620 : memref<384x128xf32, #tpu.memory_space<vmem>>) dst(%dma_wait3A_617 : memref<384x128xf32, #tpu.memory_space<hbm>>)
      %mul3A_621 = arith.constant 3 : i32
      %mul3A_622 = arith.muli %add3A_545, %mul3A_621 : i32
      %add3A_623 = arith.constant 0 : i32
      %add3A_624 = arith.addi %mul3A_622, %add3A_623 : i32
      %dma_start3A_625 = arith.constant 0 : i32
      %dma_start3A_626 = arith.constant 0 : i32
      %dma_start3A_627 = tpu.memref_slice %arg6[%dma_start3A_625, %dma_start3A_626] : memref<384x128xf32, #tpu.memory_space<vmem>> -> memref<128x128xf32, #tpu.memory_space<vmem>>
      %dma_start3A_628 = arith.constant 0 : i32
      %dma_start3A_629 = tpu.memref_slice %arg5[%add3A_624, %dma_start3A_628] : memref<200x128xi32, #tpu.memory_space<vmem>> -> memref<1x128xi32, #tpu.memory_space<vmem>>
      %dma_start3A_630 = tpu.memref_squeeze %dma_start3A_629 : memref<1x128xi32, #tpu.memory_space<vmem>> -> memref<128xi32, #tpu.memory_space<vmem>>
      %dma_start3A_631 = arith.constant 0 : i32
      %dma_start3A_632 = arith.constant 0 : i32
      %dma_start3A_633 = tpu.memref_slice %arg3[%dma_start3A_631, %dma_start3A_632] : memref<100000x128xf32, #tpu.memory_space<hbm>> -> memref<100000x128xf32, #tpu.memory_space<hbm>>
      tpu.enqueue_indirect_dma source(%dma_start3A_633 : memref<100000x128xf32, #tpu.memory_space<hbm>>) target(%dma_start3A_627 : memref<128x128xf32, #tpu.memory_space<vmem>>) offsets(%dma_start3A_630 : memref<128xi32, #tpu.memory_space<vmem>>) semaphore(%arg8 : memref<!tpu.dma_semaphore, #tpu.memory_space<semaphore_mem>>)
      %mul3A_634 = arith.constant 3 : i32
      %mul3A_635 = arith.muli %add3A_545, %mul3A_634 : i32
      %add3A_636 = arith.constant 1 : i32
      %add3A_637 = arith.addi %mul3A_635, %add3A_636 : i32
      %dma_start3A_638 = arith.constant 128 : i32
      %dma_start3A_639 = arith.constant 0 : i32
      %dma_start3A_640 = tpu.memref_slice %arg6[%dma_start3A_638, %dma_start3A_639] : memref<384x128xf32, #tpu.memory_space<vmem>> -> memref<128x128xf32, #tpu.memory_space<vmem>>
      %dma_start3A_641 = arith.constant 0 : i32
      %dma_start3A_642 = tpu.memref_slice %arg5[%add3A_637, %dma_start3A_641] : memref<200x128xi32, #tpu.memory_space<vmem>> -> memref<1x128xi32, #tpu.memory_space<vmem>>
      %dma_start3A_643 = tpu.memref_squeeze %dma_start3A_642 : memref<1x128xi32, #tpu.memory_space<vmem>> -> memref<128xi32, #tpu.memory_space<vmem>>
      %dma_start3A_644 = arith.constant 0 : i32
      %dma_start3A_645 = arith.constant 0 : i32
      %dma_start3A_646 = tpu.memref_slice %arg3[%dma_start3A_644, %dma_start3A_645] : memref<100000x128xf32, #tpu.memory_space<hbm>> -> memref<100000x128xf32, #tpu.memory_space<hbm>>
      tpu.enqueue_indirect_dma source(%dma_start3A_646 : memref<100000x128xf32, #tpu.memory_space<hbm>>) target(%dma_start3A_640 : memref<128x128xf32, #tpu.memory_space<vmem>>) offsets(%dma_start3A_643 : memref<128xi32, #tpu.memory_space<vmem>>) semaphore(%arg8 : memref<!tpu.dma_semaphore, #tpu.memory_space<semaphore_mem>>)
      %mul3A_647 = arith.constant 3 : i32
      %mul3A_648 = arith.muli %add3A_545, %mul3A_647 : i32
      %add3A_649 = arith.constant 2 : i32
      %add3A_650 = arith.addi %mul3A_648, %add3A_649 : i32
      %dma_start3A_651 = arith.constant 256 : i32
      %dma_start3A_652 = arith.constant 0 : i32
      %dma_start3A_653 = tpu.memref_slice %arg6[%dma_start3A_651, %dma_start3A_652] : memref<384x128xf32, #tpu.memory_space<vmem>> -> memref<128x128xf32, #tpu.memory_space<vmem>>
      %dma_start3A_654 = arith.constant 0 : i32
      %dma_start3A_655 = tpu.memref_slice %arg5[%add3A_650, %dma_start3A_654] : memref<200x128xi32, #tpu.memory_space<vmem>> -> memref<1x128xi32, #tpu.memory_space<vmem>>
      %dma_start3A_656 = tpu.memref_squeeze %dma_start3A_655 : memref<1x128xi32, #tpu.memory_space<vmem>> -> memref<128xi32, #tpu.memory_space<vmem>>
      %dma_start3A_657 = arith.constant 0 : i32
      %dma_start3A_658 = arith.constant 0 : i32
      %dma_start3A_659 = tpu.memref_slice %arg3[%dma_start3A_657, %dma_start3A_658] : memref<100000x128xf32, #tpu.memory_space<hbm>> -> memref<100000x128xf32, #tpu.memory_space<hbm>>
      tpu.enqueue_indirect_dma source(%dma_start3A_659 : memref<100000x128xf32, #tpu.memory_space<hbm>>) target(%dma_start3A_653 : memref<128x128xf32, #tpu.memory_space<vmem>>) offsets(%dma_start3A_656 : memref<128xi32, #tpu.memory_space<vmem>>) semaphore(%arg8 : memref<!tpu.dma_semaphore, #tpu.memory_space<semaphore_mem>>)
    }
    %scan3A_197 = arith.constant 31 : i32
    %dma_wait3A_198 = arith.constant 192 : i32
    %dma_wait3A_199 = arith.constant 0 : i32
    %dma_wait3A_200 = arith.constant 0 : i32
    %dma_wait3A_201 = tpu.memref_slice %arg6[%dma_wait3A_199, %dma_wait3A_200] : memref<384x128xf32, #tpu.memory_space<vmem>> -> memref<128x128xf32, #tpu.memory_space<vmem>>
    %dma_wait3A_202 = arith.constant 0 : i32
    %dma_wait3A_203 = tpu.memref_slice %arg5[%dma_wait3A_198, %dma_wait3A_202] : memref<200x128xi32, #tpu.memory_space<vmem>> -> memref<1x128xi32, #tpu.memory_space<vmem>>
    %dma_wait3A_204 = tpu.memref_squeeze %dma_wait3A_203 : memref<1x128xi32, #tpu.memory_space<vmem>> -> memref<128xi32, #tpu.memory_space<vmem>>
    %dma_wait3A_205 = arith.constant 0 : i32
    %dma_wait3A_206 = arith.constant 0 : i32
    %dma_wait3A_207 = tpu.memref_slice %arg3[%dma_wait3A_205, %dma_wait3A_206] : memref<100000x128xf32, #tpu.memory_space<hbm>> -> memref<100000x128xf32, #tpu.memory_space<hbm>>
    tpu.wait_indirect_dma semaphore(%arg8 : memref<!tpu.dma_semaphore, #tpu.memory_space<semaphore_mem>>) src(%dma_wait3A_207 : memref<100000x128xf32, #tpu.memory_space<hbm>>) dst(%dma_wait3A_201 : memref<128x128xf32, #tpu.memory_space<vmem>>)
    %dma_wait3A_208 = arith.constant 193 : i32
    %dma_wait3A_209 = arith.constant 128 : i32
    %dma_wait3A_210 = arith.constant 0 : i32
    %dma_wait3A_211 = tpu.memref_slice %arg6[%dma_wait3A_209, %dma_wait3A_210] : memref<384x128xf32, #tpu.memory_space<vmem>> -> memref<128x128xf32, #tpu.memory_space<vmem>>
    %dma_wait3A_212 = arith.constant 0 : i32
    %dma_wait3A_213 = tpu.memref_slice %arg5[%dma_wait3A_208, %dma_wait3A_212] : memref<200x128xi32, #tpu.memory_space<vmem>> -> memref<1x128xi32, #tpu.memory_space<vmem>>
    %dma_wait3A_214 = tpu.memref_squeeze %dma_wait3A_213 : memref<1x128xi32, #tpu.memory_space<vmem>> -> memref<128xi32, #tpu.memory_space<vmem>>
    %dma_wait3A_215 = arith.constant 0 : i32
    %dma_wait3A_216 = arith.constant 0 : i32
    %dma_wait3A_217 = tpu.memref_slice %arg3[%dma_wait3A_215, %dma_wait3A_216] : memref<100000x128xf32, #tpu.memory_space<hbm>> -> memref<100000x128xf32, #tpu.memory_space<hbm>>
    tpu.wait_indirect_dma semaphore(%arg8 : memref<!tpu.dma_semaphore, #tpu.memory_space<semaphore_mem>>) src(%dma_wait3A_217 : memref<100000x128xf32, #tpu.memory_space<hbm>>) dst(%dma_wait3A_211 : memref<128x128xf32, #tpu.memory_space<vmem>>)
    %dma_wait3A_218 = arith.constant 194 : i32
    %dma_wait3A_219 = arith.constant 256 : i32
    %dma_wait3A_220 = arith.constant 0 : i32
    %dma_wait3A_221 = tpu.memref_slice %arg6[%dma_wait3A_219, %dma_wait3A_220] : memref<384x128xf32, #tpu.memory_space<vmem>> -> memref<128x128xf32, #tpu.memory_space<vmem>>
    %dma_wait3A_222 = arith.constant 0 : i32
    %dma_wait3A_223 = tpu.memref_slice %arg5[%dma_wait3A_218, %dma_wait3A_222] : memref<200x128xi32, #tpu.memory_space<vmem>> -> memref<1x128xi32, #tpu.memory_space<vmem>>
    %dma_wait3A_224 = tpu.memref_squeeze %dma_wait3A_223 : memref<1x128xi32, #tpu.memory_space<vmem>> -> memref<128xi32, #tpu.memory_space<vmem>>
    %dma_wait3A_225 = arith.constant 0 : i32
    %dma_wait3A_226 = arith.constant 0 : i32
    %dma_wait3A_227 = tpu.memref_slice %arg3[%dma_wait3A_225, %dma_wait3A_226] : memref<100000x128xf32, #tpu.memory_space<hbm>> -> memref<100000x128xf32, #tpu.memory_space<hbm>>
    tpu.wait_indirect_dma semaphore(%arg8 : memref<!tpu.dma_semaphore, #tpu.memory_space<semaphore_mem>>) src(%dma_wait3A_227 : memref<100000x128xf32, #tpu.memory_space<hbm>>) dst(%dma_wait3A_221 : memref<128x128xf32, #tpu.memory_space<vmem>>)
    %add3A_228 = arith.constant 192 : i32
    %add3A_229 = arith.addi %mul3A_2, %add3A_228 : i32
    %mul3A_230 = arith.constant 128 : i32
    %mul3A_231 = arith.muli %add3A_229, %mul3A_230 : i32
    %dma_start3A_232 = arith.constant 0 : i32
    %dma_start3A_233 = arith.constant 0 : i32
    %dma_start3A_234 = tpu.memref_slice %arg6[%dma_start3A_232, %dma_start3A_233] : memref<384x128xf32, #tpu.memory_space<vmem>> -> memref<384x128xf32, #tpu.memory_space<vmem>>
    %dma_start3A_235 = arith.constant 0 : i32
    %dma_start3A_236 = tpu.memref_slice %arg4[%mul3A_231, %dma_start3A_235] : memref<819200x128xf32, #tpu.memory_space<hbm>> -> memref<384x128xf32, #tpu.memory_space<hbm>>
    %dma_start3A_237 = arith.constant 0 : i32
    %dma_start3A_238 = tpu.memref_slice %arg4[%mul3A_231, %dma_start3A_237] : memref<819200x128xf32, #tpu.memory_space<hbm>> -> memref<384x128xf32, #tpu.memory_space<hbm>>
    %dma_start3A_239 = arith.constant 0 : i32
    %dma_start3A_240 = arith.constant 0 : i32
    %dma_start3A_241 = tpu.memref_slice %arg6[%dma_start3A_239, %dma_start3A_240] : memref<384x128xf32, #tpu.memory_space<vmem>> -> memref<384x128xf32, #tpu.memory_space<vmem>>
    tpu.enqueue_dma source(%dma_start3A_241 : memref<384x128xf32, #tpu.memory_space<vmem>>) target(%dma_start3A_238 : memref<384x128xf32, #tpu.memory_space<hbm>>) target_semaphore(%arg10 : memref<!tpu.dma_semaphore, #tpu.memory_space<semaphore_mem>>)
    %add3A_242 = arith.constant 189 : i32
    %add3A_243 = arith.addi %mul3A_2, %add3A_242 : i32
    %mul3A_244 = arith.constant 128 : i32
    %mul3A_245 = arith.muli %add3A_243, %mul3A_244 : i32
    %dma_wait3A_246 = arith.constant 0 : i32
    %dma_wait3A_247 = arith.constant 0 : i32
    %dma_wait3A_248 = tpu.memref_slice %arg7[%dma_wait3A_246, %dma_wait3A_247] : memref<384x128xf32, #tpu.memory_space<vmem>> -> memref<384x128xf32, #tpu.memory_space<vmem>>
    %dma_wait3A_249 = arith.constant 0 : i32
    %dma_wait3A_250 = tpu.memref_slice %arg4[%mul3A_245, %dma_wait3A_249] : memref<819200x128xf32, #tpu.memory_space<hbm>> -> memref<384x128xf32, #tpu.memory_space<hbm>>
    %dma_wait3A_251 = arith.constant 0 : i32
    %dma_wait3A_252 = tpu.memref_slice %arg4[%mul3A_245, %dma_wait3A_251] : memref<819200x128xf32, #tpu.memory_space<hbm>> -> memref<384x128xf32, #tpu.memory_space<hbm>>
    %dma_wait3A_253 = arith.constant 0 : i32
    %dma_wait3A_254 = arith.constant 0 : i32
    %dma_wait3A_255 = tpu.memref_slice %arg7[%dma_wait3A_253, %dma_wait3A_254] : memref<384x128xf32, #tpu.memory_space<vmem>> -> memref<384x128xf32, #tpu.memory_space<vmem>>
    tpu.wait_dma2 semaphore(%arg11 : memref<!tpu.dma_semaphore, #tpu.memory_space<semaphore_mem>>) src(%dma_wait3A_255 : memref<384x128xf32, #tpu.memory_space<vmem>>) dst(%dma_wait3A_252 : memref<384x128xf32, #tpu.memory_space<hbm>>)
    %dma_start3A_256 = arith.constant 195 : i32
    %dma_start3A_257 = arith.constant 0 : i32
    %dma_start3A_258 = arith.constant 0 : i32
    %dma_start3A_259 = tpu.memref_slice %arg7[%dma_start3A_257, %dma_start3A_258] : memref<384x128xf32, #tpu.memory_space<vmem>> -> memref<128x128xf32, #tpu.memory_space<vmem>>
    %dma_start3A_260 = arith.constant 0 : i32
    %dma_start3A_261 = tpu.memref_slice %arg5[%dma_start3A_256, %dma_start3A_260] : memref<200x128xi32, #tpu.memory_space<vmem>> -> memref<1x128xi32, #tpu.memory_space<vmem>>
    %dma_start3A_262 = tpu.memref_squeeze %dma_start3A_261 : memref<1x128xi32, #tpu.memory_space<vmem>> -> memref<128xi32, #tpu.memory_space<vmem>>
    %dma_start3A_263 = arith.constant 0 : i32
    %dma_start3A_264 = arith.constant 0 : i32
    %dma_start3A_265 = tpu.memref_slice %arg3[%dma_start3A_263, %dma_start3A_264] : memref<100000x128xf32, #tpu.memory_space<hbm>> -> memref<100000x128xf32, #tpu.memory_space<hbm>>
    tpu.enqueue_indirect_dma source(%dma_start3A_265 : memref<100000x128xf32, #tpu.memory_space<hbm>>) target(%dma_start3A_259 : memref<128x128xf32, #tpu.memory_space<vmem>>) offsets(%dma_start3A_262 : memref<128xi32, #tpu.memory_space<vmem>>) semaphore(%arg9 : memref<!tpu.dma_semaphore, #tpu.memory_space<semaphore_mem>>)
    %dma_start3A_266 = arith.constant 196 : i32
    %dma_start3A_267 = arith.constant 128 : i32
    %dma_start3A_268 = arith.constant 0 : i32
    %dma_start3A_269 = tpu.memref_slice %arg7[%dma_start3A_267, %dma_start3A_268] : memref<384x128xf32, #tpu.memory_space<vmem>> -> memref<128x128xf32, #tpu.memory_space<vmem>>
    %dma_start3A_270 = arith.constant 0 : i32
    %dma_start3A_271 = tpu.memref_slice %arg5[%dma_start3A_266, %dma_start3A_270] : memref<200x128xi32, #tpu.memory_space<vmem>> -> memref<1x128xi32, #tpu.memory_space<vmem>>
    %dma_start3A_272 = tpu.memref_squeeze %dma_start3A_271 : memref<1x128xi32, #tpu.memory_space<vmem>> -> memref<128xi32, #tpu.memory_space<vmem>>
    %dma_start3A_273 = arith.constant 0 : i32
    %dma_start3A_274 = arith.constant 0 : i32
    %dma_start3A_275 = tpu.memref_slice %arg3[%dma_start3A_273, %dma_start3A_274] : memref<100000x128xf32, #tpu.memory_space<hbm>> -> memref<100000x128xf32, #tpu.memory_space<hbm>>
    tpu.enqueue_indirect_dma source(%dma_start3A_275 : memref<100000x128xf32, #tpu.memory_space<hbm>>) target(%dma_start3A_269 : memref<128x128xf32, #tpu.memory_space<vmem>>) offsets(%dma_start3A_272 : memref<128xi32, #tpu.memory_space<vmem>>) semaphore(%arg9 : memref<!tpu.dma_semaphore, #tpu.memory_space<semaphore_mem>>)
    %dma_start3A_276 = arith.constant 197 : i32
    %dma_start3A_277 = arith.constant 256 : i32
    %dma_start3A_278 = arith.constant 0 : i32
    %dma_start3A_279 = tpu.memref_slice %arg7[%dma_start3A_277, %dma_start3A_278] : memref<384x128xf32, #tpu.memory_space<vmem>> -> memref<128x128xf32, #tpu.memory_space<vmem>>
    %dma_start3A_280 = arith.constant 0 : i32
    %dma_start3A_281 = tpu.memref_slice %arg5[%dma_start3A_276, %dma_start3A_280] : memref<200x128xi32, #tpu.memory_space<vmem>> -> memref<1x128xi32, #tpu.memory_space<vmem>>
    %dma_start3A_282 = tpu.memref_squeeze %dma_start3A_281 : memref<1x128xi32, #tpu.memory_space<vmem>> -> memref<128xi32, #tpu.memory_space<vmem>>
    %dma_start3A_283 = arith.constant 0 : i32
    %dma_start3A_284 = arith.constant 0 : i32
    %dma_start3A_285 = tpu.memref_slice %arg3[%dma_start3A_283, %dma_start3A_284] : memref<100000x128xf32, #tpu.memory_space<hbm>> -> memref<100000x128xf32, #tpu.memory_space<hbm>>
    tpu.enqueue_indirect_dma source(%dma_start3A_285 : memref<100000x128xf32, #tpu.memory_space<hbm>>) target(%dma_start3A_279 : memref<128x128xf32, #tpu.memory_space<vmem>>) offsets(%dma_start3A_282 : memref<128xi32, #tpu.memory_space<vmem>>) semaphore(%arg9 : memref<!tpu.dma_semaphore, #tpu.memory_space<semaphore_mem>>)
    %dma_wait3A_286 = arith.constant 195 : i32
    %dma_wait3A_287 = arith.constant 0 : i32
    %dma_wait3A_288 = arith.constant 0 : i32
    %dma_wait3A_289 = tpu.memref_slice %arg7[%dma_wait3A_287, %dma_wait3A_288] : memref<384x128xf32, #tpu.memory_space<vmem>> -> memref<128x128xf32, #tpu.memory_space<vmem>>
    %dma_wait3A_290 = arith.constant 0 : i32
    %dma_wait3A_291 = tpu.memref_slice %arg5[%dma_wait3A_286, %dma_wait3A_290] : memref<200x128xi32, #tpu.memory_space<vmem>> -> memref<1x128xi32, #tpu.memory_space<vmem>>
    %dma_wait3A_292 = tpu.memref_squeeze %dma_wait3A_291 : memref<1x128xi32, #tpu.memory_space<vmem>> -> memref<128xi32, #tpu.memory_space<vmem>>
    %dma_wait3A_293 = arith.constant 0 : i32
    %dma_wait3A_294 = arith.constant 0 : i32
    %dma_wait3A_295 = tpu.memref_slice %arg3[%dma_wait3A_293, %dma_wait3A_294] : memref<100000x128xf32, #tpu.memory_space<hbm>> -> memref<100000x128xf32, #tpu.memory_space<hbm>>
    tpu.wait_indirect_dma semaphore(%arg9 : memref<!tpu.dma_semaphore, #tpu.memory_space<semaphore_mem>>) src(%dma_wait3A_295 : memref<100000x128xf32, #tpu.memory_space<hbm>>) dst(%dma_wait3A_289 : memref<128x128xf32, #tpu.memory_space<vmem>>)
    %dma_wait3A_296 = arith.constant 196 : i32
    %dma_wait3A_297 = arith.constant 128 : i32
    %dma_wait3A_298 = arith.constant 0 : i32
    %dma_wait3A_299 = tpu.memref_slice %arg7[%dma_wait3A_297, %dma_wait3A_298] : memref<384x128xf32, #tpu.memory_space<vmem>> -> memref<128x128xf32, #tpu.memory_space<vmem>>
    %dma_wait3A_300 = arith.constant 0 : i32
    %dma_wait3A_301 = tpu.memref_slice %arg5[%dma_wait3A_296, %dma_wait3A_300] : memref<200x128xi32, #tpu.memory_space<vmem>> -> memref<1x128xi32, #tpu.memory_space<vmem>>
    %dma_wait3A_302 = tpu.memref_squeeze %dma_wait3A_301 : memref<1x128xi32, #tpu.memory_space<vmem>> -> memref<128xi32, #tpu.memory_space<vmem>>
    %dma_wait3A_303 = arith.constant 0 : i32
    %dma_wait3A_304 = arith.constant 0 : i32
    %dma_wait3A_305 = tpu.memref_slice %arg3[%dma_wait3A_303, %dma_wait3A_304] : memref<100000x128xf32, #tpu.memory_space<hbm>> -> memref<100000x128xf32, #tpu.memory_space<hbm>>
    tpu.wait_indirect_dma semaphore(%arg9 : memref<!tpu.dma_semaphore, #tpu.memory_space<semaphore_mem>>) src(%dma_wait3A_305 : memref<100000x128xf32, #tpu.memory_space<hbm>>) dst(%dma_wait3A_299 : memref<128x128xf32, #tpu.memory_space<vmem>>)
    %dma_wait3A_306 = arith.constant 197 : i32
    %dma_wait3A_307 = arith.constant 256 : i32
    %dma_wait3A_308 = arith.constant 0 : i32
    %dma_wait3A_309 = tpu.memref_slice %arg7[%dma_wait3A_307, %dma_wait3A_308] : memref<384x128xf32, #tpu.memory_space<vmem>> -> memref<128x128xf32, #tpu.memory_space<vmem>>
    %dma_wait3A_310 = arith.constant 0 : i32
    %dma_wait3A_311 = tpu.memref_slice %arg5[%dma_wait3A_306, %dma_wait3A_310] : memref<200x128xi32, #tpu.memory_space<vmem>> -> memref<1x128xi32, #tpu.memory_space<vmem>>
    %dma_wait3A_312 = tpu.memref_squeeze %dma_wait3A_311 : memref<1x128xi32, #tpu.memory_space<vmem>> -> memref<128xi32, #tpu.memory_space<vmem>>
    %dma_wait3A_313 = arith.constant 0 : i32
    %dma_wait3A_314 = arith.constant 0 : i32
    %dma_wait3A_315 = tpu.memref_slice %arg3[%dma_wait3A_313, %dma_wait3A_314] : memref<100000x128xf32, #tpu.memory_space<hbm>> -> memref<100000x128xf32, #tpu.memory_space<hbm>>
    tpu.wait_indirect_dma semaphore(%arg9 : memref<!tpu.dma_semaphore, #tpu.memory_space<semaphore_mem>>) src(%dma_wait3A_315 : memref<100000x128xf32, #tpu.memory_space<hbm>>) dst(%dma_wait3A_309 : memref<128x128xf32, #tpu.memory_space<vmem>>)
    %add3A_316 = arith.constant 195 : i32
    %add3A_317 = arith.addi %mul3A_2, %add3A_316 : i32
    %mul3A_318 = arith.constant 128 : i32
    %mul3A_319 = arith.muli %add3A_317, %mul3A_318 : i32
    %dma_start3A_320 = arith.constant 0 : i32
    %dma_start3A_321 = arith.constant 0 : i32
    %dma_start3A_322 = tpu.memref_slice %arg7[%dma_start3A_320, %dma_start3A_321] : memref<384x128xf32, #tpu.memory_space<vmem>> -> memref<384x128xf32, #tpu.memory_space<vmem>>
    %dma_start3A_323 = arith.constant 0 : i32
    %dma_start3A_324 = tpu.memref_slice %arg4[%mul3A_319, %dma_start3A_323] : memref<819200x128xf32, #tpu.memory_space<hbm>> -> memref<384x128xf32, #tpu.memory_space<hbm>>
    %dma_start3A_325 = arith.constant 0 : i32
    %dma_start3A_326 = tpu.memref_slice %arg4[%mul3A_319, %dma_start3A_325] : memref<819200x128xf32, #tpu.memory_space<hbm>> -> memref<384x128xf32, #tpu.memory_space<hbm>>
    %dma_start3A_327 = arith.constant 0 : i32
    %dma_start3A_328 = arith.constant 0 : i32
    %dma_start3A_329 = tpu.memref_slice %arg7[%dma_start3A_327, %dma_start3A_328] : memref<384x128xf32, #tpu.memory_space<vmem>> -> memref<384x128xf32, #tpu.memory_space<vmem>>
    tpu.enqueue_dma source(%dma_start3A_329 : memref<384x128xf32, #tpu.memory_space<vmem>>) target(%dma_start3A_326 : memref<384x128xf32, #tpu.memory_space<hbm>>) target_semaphore(%arg11 : memref<!tpu.dma_semaphore, #tpu.memory_space<semaphore_mem>>)
    %add3A_330 = arith.constant 192 : i32
    %add3A_331 = arith.addi %mul3A_2, %add3A_330 : i32
    %mul3A_332 = arith.constant 128 : i32
    %mul3A_333 = arith.muli %add3A_331, %mul3A_332 : i32
    %dma_wait3A_334 = arith.constant 0 : i32
    %dma_wait3A_335 = arith.constant 0 : i32
    %dma_wait3A_336 = tpu.memref_slice %arg6[%dma_wait3A_334, %dma_wait3A_335] : memref<384x128xf32, #tpu.memory_space<vmem>> -> memref<384x128xf32, #tpu.memory_space<vmem>>
    %dma_wait3A_337 = arith.constant 0 : i32
    %dma_wait3A_338 = tpu.memref_slice %arg4[%mul3A_333, %dma_wait3A_337] : memref<819200x128xf32, #tpu.memory_space<hbm>> -> memref<384x128xf32, #tpu.memory_space<hbm>>
    %dma_wait3A_339 = arith.constant 0 : i32
    %dma_wait3A_340 = tpu.memref_slice %arg4[%mul3A_333, %dma_wait3A_339] : memref<819200x128xf32, #tpu.memory_space<hbm>> -> memref<384x128xf32, #tpu.memory_space<hbm>>
    %dma_wait3A_341 = arith.constant 0 : i32
    %dma_wait3A_342 = arith.constant 0 : i32
    %dma_wait3A_343 = tpu.memref_slice %arg6[%dma_wait3A_341, %dma_wait3A_342] : memref<384x128xf32, #tpu.memory_space<vmem>> -> memref<384x128xf32, #tpu.memory_space<vmem>>
    tpu.wait_dma2 semaphore(%arg10 : memref<!tpu.dma_semaphore, #tpu.memory_space<semaphore_mem>>) src(%dma_wait3A_343 : memref<384x128xf32, #tpu.memory_space<vmem>>) dst(%dma_wait3A_340 : memref<384x128xf32, #tpu.memory_space<hbm>>)
    %dma_start3A_344 = arith.constant 198 : i32
    %dma_start3A_345 = arith.constant 0 : i32
    %dma_start3A_346 = arith.constant 0 : i32
    %dma_start3A_347 = tpu.memref_slice %arg6[%dma_start3A_345, %dma_start3A_346] : memref<384x128xf32, #tpu.memory_space<vmem>> -> memref<128x128xf32, #tpu.memory_space<vmem>>
    %dma_start3A_348 = arith.constant 0 : i32
    %dma_start3A_349 = tpu.memref_slice %arg5[%dma_start3A_344, %dma_start3A_348] : memref<200x128xi32, #tpu.memory_space<vmem>> -> memref<1x128xi32, #tpu.memory_space<vmem>>
    %dma_start3A_350 = tpu.memref_squeeze %dma_start3A_349 : memref<1x128xi32, #tpu.memory_space<vmem>> -> memref<128xi32, #tpu.memory_space<vmem>>
    %dma_start3A_351 = arith.constant 0 : i32
    %dma_start3A_352 = arith.constant 0 : i32
    %dma_start3A_353 = tpu.memref_slice %arg3[%dma_start3A_351, %dma_start3A_352] : memref<100000x128xf32, #tpu.memory_space<hbm>> -> memref<100000x128xf32, #tpu.memory_space<hbm>>
    tpu.enqueue_indirect_dma source(%dma_start3A_353 : memref<100000x128xf32, #tpu.memory_space<hbm>>) target(%dma_start3A_347 : memref<128x128xf32, #tpu.memory_space<vmem>>) offsets(%dma_start3A_350 : memref<128xi32, #tpu.memory_space<vmem>>) semaphore(%arg8 : memref<!tpu.dma_semaphore, #tpu.memory_space<semaphore_mem>>)
    %dma_start3A_354 = arith.constant 199 : i32
    %dma_start3A_355 = arith.constant 128 : i32
    %dma_start3A_356 = arith.constant 0 : i32
    %dma_start3A_357 = tpu.memref_slice %arg6[%dma_start3A_355, %dma_start3A_356] : memref<384x128xf32, #tpu.memory_space<vmem>> -> memref<128x128xf32, #tpu.memory_space<vmem>>
    %dma_start3A_358 = arith.constant 0 : i32
    %dma_start3A_359 = tpu.memref_slice %arg5[%dma_start3A_354, %dma_start3A_358] : memref<200x128xi32, #tpu.memory_space<vmem>> -> memref<1x128xi32, #tpu.memory_space<vmem>>
    %dma_start3A_360 = tpu.memref_squeeze %dma_start3A_359 : memref<1x128xi32, #tpu.memory_space<vmem>> -> memref<128xi32, #tpu.memory_space<vmem>>
    %dma_start3A_361 = arith.constant 0 : i32
    %dma_start3A_362 = arith.constant 0 : i32
    %dma_start3A_363 = tpu.memref_slice %arg3[%dma_start3A_361, %dma_start3A_362] : memref<100000x128xf32, #tpu.memory_space<hbm>> -> memref<100000x128xf32, #tpu.memory_space<hbm>>
    tpu.enqueue_indirect_dma source(%dma_start3A_363 : memref<100000x128xf32, #tpu.memory_space<hbm>>) target(%dma_start3A_357 : memref<128x128xf32, #tpu.memory_space<vmem>>) offsets(%dma_start3A_360 : memref<128xi32, #tpu.memory_space<vmem>>) semaphore(%arg8 : memref<!tpu.dma_semaphore, #tpu.memory_space<semaphore_mem>>)
    %dma_wait3A_364 = arith.constant 198 : i32
    %dma_wait3A_365 = arith.constant 0 : i32
    %dma_wait3A_366 = arith.constant 0 : i32
    %dma_wait3A_367 = tpu.memref_slice %arg6[%dma_wait3A_365, %dma_wait3A_366] : memref<384x128xf32, #tpu.memory_space<vmem>> -> memref<128x128xf32, #tpu.memory_space<vmem>>
    %dma_wait3A_368 = arith.constant 0 : i32
    %dma_wait3A_369 = tpu.memref_slice %arg5[%dma_wait3A_364, %dma_wait3A_368] : memref<200x128xi32, #tpu.memory_space<vmem>> -> memref<1x128xi32, #tpu.memory_space<vmem>>
    %dma_wait3A_370 = tpu.memref_squeeze %dma_wait3A_369 : memref<1x128xi32, #tpu.memory_space<vmem>> -> memref<128xi32, #tpu.memory_space<vmem>>
    %dma_wait3A_371 = arith.constant 0 : i32
    %dma_wait3A_372 = arith.constant 0 : i32
    %dma_wait3A_373 = tpu.memref_slice %arg3[%dma_wait3A_371, %dma_wait3A_372] : memref<100000x128xf32, #tpu.memory_space<hbm>> -> memref<100000x128xf32, #tpu.memory_space<hbm>>
    tpu.wait_indirect_dma semaphore(%arg8 : memref<!tpu.dma_semaphore, #tpu.memory_space<semaphore_mem>>) src(%dma_wait3A_373 : memref<100000x128xf32, #tpu.memory_space<hbm>>) dst(%dma_wait3A_367 : memref<128x128xf32, #tpu.memory_space<vmem>>)
    %dma_wait3A_374 = arith.constant 199 : i32
    %dma_wait3A_375 = arith.constant 128 : i32
    %dma_wait3A_376 = arith.constant 0 : i32
    %dma_wait3A_377 = tpu.memref_slice %arg6[%dma_wait3A_375, %dma_wait3A_376] : memref<384x128xf32, #tpu.memory_space<vmem>> -> memref<128x128xf32, #tpu.memory_space<vmem>>
    %dma_wait3A_378 = arith.constant 0 : i32
    %dma_wait3A_379 = tpu.memref_slice %arg5[%dma_wait3A_374, %dma_wait3A_378] : memref<200x128xi32, #tpu.memory_space<vmem>> -> memref<1x128xi32, #tpu.memory_space<vmem>>
    %dma_wait3A_380 = tpu.memref_squeeze %dma_wait3A_379 : memref<1x128xi32, #tpu.memory_space<vmem>> -> memref<128xi32, #tpu.memory_space<vmem>>
    %dma_wait3A_381 = arith.constant 0 : i32
    %dma_wait3A_382 = arith.constant 0 : i32
    %dma_wait3A_383 = tpu.memref_slice %arg3[%dma_wait3A_381, %dma_wait3A_382] : memref<100000x128xf32, #tpu.memory_space<hbm>> -> memref<100000x128xf32, #tpu.memory_space<hbm>>
    tpu.wait_indirect_dma semaphore(%arg8 : memref<!tpu.dma_semaphore, #tpu.memory_space<semaphore_mem>>) src(%dma_wait3A_383 : memref<100000x128xf32, #tpu.memory_space<hbm>>) dst(%dma_wait3A_377 : memref<128x128xf32, #tpu.memory_space<vmem>>)
    %add3A_384 = arith.constant 198 : i32
    %add3A_385 = arith.addi %mul3A_2, %add3A_384 : i32
    %mul3A_386 = arith.constant 128 : i32
    %mul3A_387 = arith.muli %add3A_385, %mul3A_386 : i32
    %dma_start3A_388 = arith.constant 0 : i32
    %dma_start3A_389 = arith.constant 0 : i32
    %dma_start3A_390 = tpu.memref_slice %arg6[%dma_start3A_388, %dma_start3A_389] : memref<384x128xf32, #tpu.memory_space<vmem>> -> memref<256x128xf32, #tpu.memory_space<vmem>>
    %dma_start3A_391 = arith.constant 0 : i32
    %dma_start3A_392 = tpu.memref_slice %arg4[%mul3A_387, %dma_start3A_391] : memref<819200x128xf32, #tpu.memory_space<hbm>> -> memref<256x128xf32, #tpu.memory_space<hbm>>
    %dma_start3A_393 = arith.constant 0 : i32
    %dma_start3A_394 = tpu.memref_slice %arg4[%mul3A_387, %dma_start3A_393] : memref<819200x128xf32, #tpu.memory_space<hbm>> -> memref<256x128xf32, #tpu.memory_space<hbm>>
    %dma_start3A_395 = arith.constant 0 : i32
    %dma_start3A_396 = arith.constant 0 : i32
    %dma_start3A_397 = tpu.memref_slice %arg6[%dma_start3A_395, %dma_start3A_396] : memref<384x128xf32, #tpu.memory_space<vmem>> -> memref<256x128xf32, #tpu.memory_space<vmem>>
    tpu.enqueue_dma source(%dma_start3A_397 : memref<256x128xf32, #tpu.memory_space<vmem>>) target(%dma_start3A_394 : memref<256x128xf32, #tpu.memory_space<hbm>>) target_semaphore(%arg10 : memref<!tpu.dma_semaphore, #tpu.memory_space<semaphore_mem>>)
    %add3A_398 = arith.constant 195 : i32
    %add3A_399 = arith.addi %mul3A_2, %add3A_398 : i32
    %mul3A_400 = arith.constant 128 : i32
    %mul3A_401 = arith.muli %add3A_399, %mul3A_400 : i32
    %dma_wait3A_402 = arith.constant 0 : i32
    %dma_wait3A_403 = arith.constant 0 : i32
    %dma_wait3A_404 = tpu.memref_slice %arg7[%dma_wait3A_402, %dma_wait3A_403] : memref<384x128xf32, #tpu.memory_space<vmem>> -> memref<384x128xf32, #tpu.memory_space<vmem>>
    %dma_wait3A_405 = arith.constant 0 : i32
    %dma_wait3A_406 = tpu.memref_slice %arg4[%mul3A_401, %dma_wait3A_405] : memref<819200x128xf32, #tpu.memory_space<hbm>> -> memref<384x128xf32, #tpu.memory_space<hbm>>
    %dma_wait3A_407 = arith.constant 0 : i32
    %dma_wait3A_408 = tpu.memref_slice %arg4[%mul3A_401, %dma_wait3A_407] : memref<819200x128xf32, #tpu.memory_space<hbm>> -> memref<384x128xf32, #tpu.memory_space<hbm>>
    %dma_wait3A_409 = arith.constant 0 : i32
    %dma_wait3A_410 = arith.constant 0 : i32
    %dma_wait3A_411 = tpu.memref_slice %arg7[%dma_wait3A_409, %dma_wait3A_410] : memref<384x128xf32, #tpu.memory_space<vmem>> -> memref<384x128xf32, #tpu.memory_space<vmem>>
    tpu.wait_dma2 semaphore(%arg11 : memref<!tpu.dma_semaphore, #tpu.memory_space<semaphore_mem>>) src(%dma_wait3A_411 : memref<384x128xf32, #tpu.memory_space<vmem>>) dst(%dma_wait3A_408 : memref<384x128xf32, #tpu.memory_space<hbm>>)
    %add3A_412 = arith.constant 198 : i32
    %add3A_413 = arith.addi %mul3A_2, %add3A_412 : i32
    %mul3A_414 = arith.constant 128 : i32
    %mul3A_415 = arith.muli %add3A_413, %mul3A_414 : i32
    %dma_wait3A_416 = arith.constant 0 : i32
    %dma_wait3A_417 = arith.constant 0 : i32
    %dma_wait3A_418 = tpu.memref_slice %arg6[%dma_wait3A_416, %dma_wait3A_417] : memref<384x128xf32, #tpu.memory_space<vmem>> -> memref<256x128xf32, #tpu.memory_space<vmem>>
    %dma_wait3A_419 = arith.constant 0 : i32
    %dma_wait3A_420 = tpu.memref_slice %arg4[%mul3A_415, %dma_wait3A_419] : memref<819200x128xf32, #tpu.memory_space<hbm>> -> memref<256x128xf32, #tpu.memory_space<hbm>>
    %dma_wait3A_421 = arith.constant 0 : i32
    %dma_wait3A_422 = tpu.memref_slice %arg4[%mul3A_415, %dma_wait3A_421] : memref<819200x128xf32, #tpu.memory_space<hbm>> -> memref<256x128xf32, #tpu.memory_space<hbm>>
    %dma_wait3A_423 = arith.constant 0 : i32
    %dma_wait3A_424 = arith.constant 0 : i32
    %dma_wait3A_425 = tpu.memref_slice %arg6[%dma_wait3A_423, %dma_wait3A_424] : memref<384x128xf32, #tpu.memory_space<vmem>> -> memref<256x128xf32, #tpu.memory_space<vmem>>
    tpu.wait_dma2 semaphore(%arg10 : memref<!tpu.dma_semaphore, #tpu.memory_space<semaphore_mem>>) src(%dma_wait3A_425 : memref<256x128xf32, #tpu.memory_space<vmem>>) dst(%dma_wait3A_422 : memref<256x128xf32, #tpu.memory_space<hbm>>)
    return
  }
}

</mosaic_0001>

<sc_bundles>
// kernel: kernel.3.cloned.1.call-start
scs
__scs_entry_jumppad:
0x0: {  	(pc) =	sbr.rel $0x88, $3  }
0x1: {  	(tag) =	ssettag $0x0;
	lr =	simm.s32 $0x1  }
0x2: {  	[smem:$0x3F9F] =	sst lr;
	_ =	strace $0xD0000000  }
0x3: {  	_ = 	snop  }
0x4: {  	_ = 	snop  }
0x5: {  	_ = 	snop  }
0x6: {  	_ = 	snop  }
0x7: {  	_ = 	snop  }
__scs_overlays_trampoline_lowered:
0x8: {  	[smem:$0x3FAE] =	sst s0  }
0x9: {  	[smem:$0x3FAF] =	sst s1  }
0xa: {  	[smem:$0x3FB0] =	sst s2  }
0xb: {  	[smem:$0x3FB1] =	sst s3  }
0xc: {  	[smem:$0x3FB2] =	sst s4  }
0xd: {  	[smem:$0x3FB3] =	sst s5  }
0xe: {  	[smem:$0x3FB4] =	sst s6  }
0xf: {  	[smem:$0x3FB5] =	sst s7  }
0x10: {  	[smem:$0x3FB6] =	sst s8  }
0x11: {  	[smem:$0x3FB7] =	sst s9;
	s0 =	simm.s32 @!p0 $0x0  }
0x12: {  	s1 =	sld [smem:$0x3F9D];
	s0 =	simm.s32 @p0 $0x1  }
0x13: {  	[smem:$0x3FB8] =	sst s0;
	s0 =	simm.s32 @!p1 $0x0  }
0x14: {  	s2 =	sld [smem:$0x3F9C];
	s0 =	simm.s32 @p1 $0x1  }
0x15: {  	[smem:$0x3FB9] =	sst s0;
	s0 =	simm.s32 @!p2 $0x0  }
0x16: {  	s3 =	sld [smem:$0x3FDB];
	s0 =	simm.s32 @p2 $0x1  }
0x17: {  	s4 =	simm.s32 $0x1BF5;
	[smem:$0x3FBB] =	sst s0  }
0x18: {  	s0 =	sld [smem:$0x3F9E];
	_ =	swait.ge [sflag:s4], $0x0  }
0x19: {  	s7 =	sld [smem:$0x3F9F]  }
0x1a: {  	s8 =	sadd.s32 $0xFFFFE003, lr  }
0x1b: {  	s9 =	sadd.s32 $0xFFFFFEF7, lr;
	s5 =	simm.s32 $0xFFFFFFFF;
	p2 =	slt.u32 s8, $0xFFFFF086  }
0x1c: {  	p1 =	slt.u32 s9, $0xF7A;
	s5 =	simm.s32 @!p2 $0x0  }
0x1d: {  	s5 =	simm.s32 @p1 $0x1;
	p0 =	seq.s32 s7, s2  }
0x1e: {  	s7 =	smul.u32 @!p0 $0xF7A, s2;
	p2 =	seq.s32 @!p0 s5, $0x0  }
0x1f: {  	s9 =	smul.u32 $0xF7A, s1;
	s8 =	simm.s32 @!p0 $0x1BF5;
	p2 =	por !p2, p0  }
0x20: {  	[sflag:s8] =	ssyncset.s32 @!p0 $0xFFFFF086;
	s6 =	sadd.s32 @!p0 s3, s7;
	s7 =	simm.s32 @!p0 $0x108  }
0x21: {  	s3 =	sadd.s32 s3, s9;
	s6 =	sadd.s32 @!p0 $0x88, s6;
	s7 =	simm.s32 @p2 $0x1082  }
0x22: {  	[simem:s7], [sflag:s8] =	dma.local @!p0 [hbm:s6], $0xF7A  }
0x23: {  	s9 =	sor.u32 $0xD0000000, s2;
	s6 =	simm.s32 $0x108;
	_ =	swait.ge @!p0 [sflag:s8], $0x0  }
0x24: {  	s3 =	sadd.s32 $0x88, s3;
	s6 =	simm.s32 @!p1 $0x1082;
	[sflag:s4] =	ssyncset.s32 $0xFFFFF086  }
0x25: {  	[simem:s6], [sflag:s4] =	dma.local [hbm:s3], $0xF7A  }
0x26: {  	[smem:$0x3F9F] =	sst s1;
	(tag) =	ssettag s2;
	_ =	strace s9  }
0x27: {  	s1 =	sld [smem:$0x3FAF]  }
0x28: {  	s2 =	sld [smem:$0x3FB0]  }
0x29: {  	s4 =	sld [smem:$0x3FB2]  }
0x2a: {  	p0 =	seq.s32 s5, $0x0;
	s5 =	sld [smem:$0x3FB3]  }
0x2b: {  	s6 =	sld [smem:$0x3FB4]  }
0x2c: {  	s7 =	sld [smem:$0x3FB5]  }
0x2d: {  	s3 =	simm.s32 $0x108;
	s8 =	sld [smem:$0x3FB6]  }
0x2e: {  	s3 =	simm.s32 @!p0 $0x1082;
	s9 =	sld [smem:$0x3FB7]  }
0x2f: {  	lr =	sadd.s32 s0, s3;
	s0 =	sld [smem:$0x3FAE]  }
0x30: {  	s3 =	sld [smem:$0x3FB1]  }
0x31: {  	[smem:$0x3FBA] =	sst s10  }
0x32: {  	s10 =	sld [smem:$0x3FB8];
	_ =	sdelay $0x3  }
0x33: {  	p0 =	seq.s32 s10, $0x1;
	s10 =	sld [smem:$0x3FBA];
	_ =	sdelay $0x3  }
0x34: {  	[smem:$0x3FBA] =	sst s10  }
0x35: {  	s10 =	sld [smem:$0x3FB9];
	_ =	sdelay $0x3  }
0x36: {  	p1 =	seq.s32 s10, $0x1;
	s10 =	sld [smem:$0x3FBA];
	_ =	sdelay $0x3  }
0x37: {  	[smem:$0x3FBA] =	sst s10  }
0x38: {  	s10 =	sld [smem:$0x3FBB]  }
0x39: {  	_ = 	snop;
	(pc) =	sbr.ind lr, $3  }
0x3a: {  	_ = 	snop  }
0x3b: {  	_ = 	snop  }
0x3c: {  	p2 =	seq.s32 s10, $0x1;
	s10 =	sld [smem:$0x3FBA]  }
0x3d: {  	_ =	shalt  }
0x3e: {  	_ =	shalt  }
0x3f: {  	_ =	shalt  }
0x40: {  	_ =	shalt  }
0x41: {  	_ =	shalt  }
0x42: {  	_ =	shalt  }
0x43: {  	_ =	shalt  }
0x44: {  	_ =	shalt  }
0x45: {  	_ =	shalt  }
0x46: {  	_ =	shalt  }
0x47: {  	_ =	shalt  }
0x48: {  	_ =	shalt  }
0x49: {  	_ =	shalt  }
0x4a: {  	_ =	shalt  }
0x4b: {  	_ =	shalt  }
0x4c: {  	_ =	shalt  }
0x4d: {  	_ =	shalt  }
0x4e: {  	_ =	shalt  }
0x4f: {  	_ =	shalt  }
0x50: {  	_ =	shalt  }
0x51: {  	_ =	shalt  }
0x52: {  	_ =	shalt  }
0x53: {  	_ =	shalt  }
0x54: {  	_ =	shalt  }
0x55: {  	_ =	shalt  }
0x56: {  	_ =	shalt  }
0x57: {  	_ =	shalt  }
0x58: {  	_ =	shalt  }
0x59: {  	_ =	shalt  }
0x5a: {  	_ =	shalt  }
0x5b: {  	_ =	shalt  }
0x5c: {  	_ =	shalt  }
0x5d: {  	_ =	shalt  }
0x5e: {  	_ =	shalt  }
0x5f: {  	_ =	shalt  }
0x60: {  	_ =	shalt  }
0x61: {  	_ =	shalt  }
0x62: {  	_ =	shalt  }
0x63: {  	_ =	shalt  }
0x64: {  	_ =	shalt  }
0x65: {  	_ =	shalt  }
0x66: {  	_ =	shalt  }
0x67: {  	_ =	shalt  }
0x68: {  	_ =	shalt  }
0x69: {  	_ =	shalt  }
0x6a: {  	_ =	shalt  }
0x6b: {  	_ =	shalt  }
0x6c: {  	_ =	shalt  }
0x6d: {  	_ =	shalt  }
0x6e: {  	_ =	shalt  }
0x6f: {  	_ =	shalt  }
0x70: {  	_ =	shalt  }
0x71: {  	_ =	shalt  }
0x72: {  	_ =	shalt  }
0x73: {  	_ =	shalt  }
0x74: {  	_ =	shalt  }
0x75: {  	_ =	shalt  }
0x76: {  	_ =	shalt  }
0x77: {  	_ =	shalt  }
0x78: {  	_ =	shalt  }
0x79: {  	_ =	shalt  }
0x7a: {  	_ =	shalt  }
0x7b: {  	_ =	shalt  }
0x7c: {  	_ =	shalt  }
0x7d: {  	_ =	shalt  }
0x7e: {  	_ =	shalt  }
0x7f: {  	_ =	shalt  }
0x80: {  	_ =	shalt  }
0x81: {  	_ =	shalt  }
0x82: {  	_ =	shalt  }
0x83: {  	_ =	shalt  }
0x84: {  	_ =	shalt  }
0x85: {  	_ =	shalt  }
0x86: {  	_ =	shalt  }
0x87: {  	_ =	shalt  }
.Lfunc_end0:
.L_simem_size_0:
called_computation_lowered:
.L_overlay_start_0:
0x88: {  	s2 =	sld [smem:$0x3FD9]  }
0x89: {  	s3 =	sld [smem:$0x3FFE];
	_ =	sdelay $0x1  }
0x8a: {  	s1 =	srdreg.scid  }
0x8b: {  	s0 =	sand.u32 $0x1, s1  }
0x8c: {  	s17 =	sshll.u32 s0, $0xA;
	s2 =	sadd.s32 s3, s2  }
0x8d: {  	s2 =	sadd.s32 s2, s17  }
0x8e: {  	[smem:$0x3FC6] =	sst s2  }
0x8f: {  	_ = 	snop  }
0x90: {  	s2 =	sld [smem:$0x3FC8]  }
0x91: {  	s18 =	sld [smem:$0x3FD0];
	(tm) =	ssettm $0x1  }
0x92: {  	s4 =	sld [smem:$0x3FFB];
	_ =	sdelay $0x3  }
0x93: {  	_ =	strace s4  }
0x94: {  	s4 =	sld [smem:$0x3FFC];
	_ =	sdelay $0x3  }
0x95: {  	_ =	strace s4  }
0x96: {  	s4 =	sld [smem:$0x3FFD];
	_ =	sdelay $0x3  }
0x97: {  	_ =	strace s4  }
0x98: {  	_ =	strace $0x8FFFFFFF  }
0x99: {  	s19 =	sld [smem:$0x3FDB];
	_ =	sdelay $0x1  }
0x9a: {  	s5 =	simm.s32 $_scs_section_size  }
0x9b: {  	s6 =	simm.s32 $_size__tile_overlayer_lowered;
	s7 =	simm.s32 $_tile_overlayer_lowered  }
0x9c: {  	s22 =	simm.s32 $0x1BFF;
	s21 =	sshll.u32 s7, $0x1;
	s4 =	sadd.s32 s5, s19  }
0x9d: {  	s8 =	simm.s32 $0x0;
	s20 =	sshll.u32 s6, $0x1;
	s6 =	sadd.s32 s21, s4  }
0x9e: {  	[timem:s8], [sflag:s22] =	dma.local [hbm:s6], s20  }
0x9f: {  	_ =	swait.ge [sflag:s22], s20  }
0xa0: {  	s5 =	ssub.s32 $0x0, s20;
	[sflag:s22] =	ssyncset.done $0x0  }
0xa1: {  	[sflag:s22] =	ssyncadd.s32 s5;
	_ =	sdelay $0x1  }
0xa2: {  	s23 =	simm.s32 $0x1B8B  }
0xa3: {  	_ =	swait.ge [sflag:s23], $0x1  }
0xa4: {  	[sflag:s23] =	ssyncset.done $0x0  }
0xa5: {  	s25 =	simm.s32 $0x1B8E;
	s24 =	sld [smem:$0x3FFE];
	[sflag:s23] =	ssyncadd.s32 $0xFFFFFFFF  }
0xa6: {  	s26 =	simm.s32 $execute0_lowered;
	[smem:$0x3FD2] =	sst s25  }
0xa7: {  	s6 =	sshll.u32 s26, $0x1;
	_ =	strace $0x80000046;
	[dreg:$0x1] =	wrdreg $0xFFFFFFFF  }
0xa8: {  	s28 =	simm.s32 $_size_execute0_lowered;
	s4 =	sadd.s32 s4, s6;
	[dreg:$0x0] =	wrdreg $0x0  }
0xa9: {  	s6 =	sshll.u32 s28, $0x1;
	[dreg:$0x2] =	wrdreg s4  }
0xaa: {  	[dreg:$0x3] =	wrdreg s6  }
0xab: {  	[dreg:$0x4] =	wrdreg $0xC0  }
0xac: {  	_ =	task [dreg:s8], $0x5FFFF  }
0xad: {  	[dreg:$0x1] =	wrdreg $0xFFFFFFFF  }
0xae: {  	[dreg:$0x0] =	wrdreg $0x60  }
0xaf: {  	[dreg:$0x2] =	wrdreg s24  }
0xb0: {  	[dreg:$0x3] =	wrdreg s2  }
0xb1: {  	[dreg:$0x4] =	wrdreg s18  }
0xb2: {  	[dreg:$0x5] =	wrdreg $0x9  }
0xb3: {  	_ =	task.clear_ibuf [dreg:s8], $0x6FFFF;
	_ =	strace $0x90000046  }
0xb4: {  	s29 =	simm.s32 $0x9;
	_ =	strace $0x80000048  }
0xb5: {  	_ =	swait.ge [sflag:s29], $0x1  }
0xb6: {  	[sflag:s29] =	ssyncadd.s32 $0xFFFFFFFF  }
0xb7: {  	_ =	strace $0x90000048  }
0xb8: {  	_ =	sfence  }
0xb9: {  	s30 =	sld [smem:$0x0];
	_ =	sdelay $0x2  }
0xba: {  	s31 =	sshll.u32 s1, $0xD;
	s1 =	sshrl.u32 s1, $0x2  }
0xbb: {  	s3 =	sand.u32 $0x4000, s31;
	s1 =	sadd.s32 s1, s30  }
0xbc: {  	s0 =	sor.u32 s3, s0;
	s1 =	sshll.u32 s1, $0x11  }
0xbd: {  	s0 =	sor.u32 s1, s0  }
0xbe: {  	s0 =	sadd.s32 $0x8F2B, s0  }
0xbf: {  	[sflag:s0] =	ssyncadd.remote.s32 $0x1  }
0xc0: {  	_ =	sfence.sel $0xFFFF  }
0xc1: {  	[dreg:$0x0] =	wrdreg $0xFFFFFFFF;
	(pc) =	sbr.abs _section_cstart, $3  }
0xc2: {  	[dreg:$0x1] =	wrdreg $0xFFFFFFFF  }
0xc3: {  	_ =	task.clear_ibuf [dreg:s8], $0x2FFFF;
	_ =	strace $0x9FFFFFFF  }
0xc4: {  	(tm) =	ssettm $0x7FFFFFFF  }
0xc5: {  	_ =	shalt  }
tec
execute0_lowered:
.L_overlay_start_1:
0x0: {  	(tag) =	ssettag $0x1  }
0x1: {  	s0 =	srdreg.scid;
	s1 =	rddreg [dreg:$0x0]  }
0x2: {  	s9 =	stileid.u32;
	s2 =	rddreg [dreg:$0x1]  }
0x3: {  	s11 =	rddreg [dreg:$0x2];
	s13 =	simm.s32 $0x5;
	s14 =	simm.s32 $0x80  }
0x4: {  	s15 =	simm.s32 $0x6400;
	s16 =	simm.s32 $0xA400;
	s18 =	simm.s32 $0xE400  }
0x5: {  	s19 =	simm.s32 $0x1;
	s21 =	simm.s32 $0x12400;
	s23 =	simm.s32 $0x16400  }
0x6: {  	s25 =	simm.s32 $0x1A400;
	s26 =	simm.s32 $0x2;
	s28 =	simm.s32 $0x3  }
0x7: {  	s0 =	sand.u32 $0x1, s0;
	s3 =	sshll.u32 s9, $0x1;
	s9 =	smul.u32 $0x190, s9  }
0x8: {  	s4 =	sor.u32 s0, s3;
	s7 =	ssub.s32 $0x2, s0;
	s0 =	smul.u32 $0xC8, s0  }
0x9: {  	s22 =	simm.s32 $0x6300;
	s24 =	simm.s32 $0x6380;
	s5 =	smul.u32 $0xC80, s4  }
0xa: {  	s29 =	simm.s32 $0x0;
	s3 =	simm.s32 $0x0;
	s6 =	smul.u32 $0x64000, s4  }
0xb: {  	[smem:$0x7FF] =	sst s3;
	s8 =	smul.u32 $0x320000, s4;
	s30 =	sshrl.u32 s7, $0x1  }
0xc: {  	_ =	strace $0x80000047;
	s10 =	ssub.s32 s7, s30;
	s0 =	sadd.s32 s0, s9  }
0xd: {  	s1 =	sadd.s32 s5, s1;
	s5 =	sadd.s32 s11, s6;
	s31 =	sshrl.u32 s8, $0x3  }
0xe: {  	s0 =	sshll.u32 s0, $0xB;
	s10 =	smax.u32 s10, $0x1;
	s4 =	sadd.s32 $0x400, s1  }
0xf: {  	s6 =	sadd.s32 $0x1800, s5;
	s1 =	sadd.s32 s11, s31;
	s0 =	sadd.s32 s0, s11  }
0x10: {  	s7 =	sadd.s32 $0x60000, s1;
	s8 =	sadd.s32 $0x61800, s1;
	s9 =	sadd.s32 $0x63000, s1  }
0x11: {  	s11 =	sadd.s32 $0x3000, s0;
	s12 =	sadd.s32 $0x4800, s0;
	s1 =	simm.s32 $0x4  }
.LBB2_1:
0x12: {  	[tilespmem:s3], [sflag:$0x5] =	stream.linear.gather [hbm4b:s4+s3], $0x6400, $0x38;
	[tilespmem:$0x1E400] =	vst v63  }
0x13: {  	_ =	swait.ge [sflag:s13], $0x6400  }
0x14: {  	[sflag:s13] =	ssyncset.done $0x0  }
0x15: {  	[sflag:s13] =	ssyncadd.s32 $0xFFFF9C00  }
0x16: {  	[tilespmem:s15], [sflag:$0x1] =	stream.indirect.gather [hbm4b:s2+s14], $0x80, s3, s14, $0xb8;
	[tilespmem:$0x1E400] =	vst v63  }
0x17: {  	_ = 	snop  }
0x18: {  	[tilespmem:s16], [sflag:$0x1] =	stream.indirect.gather [hbm4b:s2+s14], $0x80, s14, s14, $0xb8;
	[tilespmem:$0x1E400] =	vst v63  }
0x19: {  	s0 =	simm.s32 $0x100  }
0x1a: {  	[tilespmem:s18], [sflag:$0x1] =	stream.indirect.gather [hbm4b:s2+s14], $0x80, s0, s14, $0xb8;
	[tilespmem:$0x1E400] =	vst v63  }
0x1b: {  	_ =	swait.ge [sflag:s19], $0x4000  }
0x1c: {  	[sflag:s19] =	ssyncset.done $0x0  }
0x1d: {  	[sflag:s19] =	ssyncadd.s32 $0xFFFFC000  }
0x1e: {  	_ =	swait.ge [sflag:s19], $0x4000  }
0x1f: {  	[sflag:s19] =	ssyncset.done $0x0  }
0x20: {  	[sflag:s19] =	ssyncadd.s32 $0xFFFFC000  }
0x21: {  	_ =	swait.ge [sflag:s19], $0x4000  }
0x22: {  	[sflag:s19] =	ssyncset.done $0x0  }
0x23: {  	[sflag:s19] =	ssyncadd.s32 $0xFFFFC000  }
0x24: {  	[hbm4b:s5+s3] =	stream.linear.scatter [tilespmem:s15], [sflag:$0x3], $0xC000, $0x38;
	[tilespmem:$0x1E400] =	vst v63  }
0x25: {  	s20 =	simm.s32 $0x180  }
0x26: {  	[tilespmem:s21], [sflag:$0x2] =	stream.indirect.gather [hbm4b:s2+s14], $0x80, s20, s14, $0xb8;
	[tilespmem:$0x1E400] =	vst v63  }
0x27: {  	s17 =	simm.s32 $0x200  }
0x28: {  	[tilespmem:s23], [sflag:$0x2] =	stream.indirect.gather [hbm4b:s2+s14], $0x80, s17, s14, $0xb8;
	[tilespmem:$0x1E400] =	vst v63  }
0x29: {  	s20 =	simm.s32 $0x280  }
0x2a: {  	[tilespmem:s25], [sflag:$0x2] =	stream.indirect.gather [hbm4b:s2+s14], $0x80, s20, s14, $0xb8;
	[tilespmem:$0x1E400] =	vst v63  }
0x2b: {  	_ =	swait.ge [sflag:s26], $0x4000  }
0x2c: {  	[sflag:s26] =	ssyncset.done $0x0  }
0x2d: {  	[sflag:s26] =	ssyncadd.s32 $0xFFFFC000  }
0x2e: {  	_ =	swait.ge [sflag:s26], $0x4000  }
0x2f: {  	[sflag:s26] =	ssyncset.done $0x0  }
0x30: {  	[sflag:s26] =	ssyncadd.s32 $0xFFFFC000  }
0x31: {  	_ =	swait.ge [sflag:s26], $0x4000  }
0x32: {  	[sflag:s26] =	ssyncset.done $0x0  }
0x33: {  	[sflag:s26] =	ssyncadd.s32 $0xFFFFC000  }
0x34: {  	[hbm4b:s6+s3] =	stream.linear.scatter [tilespmem:s21], [sflag:$0x4], $0xC000, $0x38;
	[tilespmem:$0x1E400] =	vst v63  }
0x35: {  	_ =	swait.ge [sflag:s28], $0xC000  }
0x36: {  	[sflag:s28] =	ssyncset.done $0x0  }
0x37: {  	s17 =	simm.s32 $0x300;
	[sflag:s28] =	ssyncadd.s32 $0xFFFF4000  }
0x38: {  	[tilespmem:s15], [sflag:$0x1] =	stream.indirect.gather [hbm4b:s2+s14], $0x80, s17, s14, $0xb8;
	[tilespmem:$0x1E400] =	vst v63  }
0x39: {  	s20 =	simm.s32 $0x380  }
0x3a: {  	[tilespmem:s16], [sflag:$0x1] =	stream.indirect.gather [hbm4b:s2+s14], $0x80, s20, s14, $0xb8;
	[tilespmem:$0x1E400] =	vst v63  }
0x3b: {  	s17 =	simm.s32 $0x400  }
0x3c: {  	[tilespmem:s18], [sflag:$0x1] =	stream.indirect.gather [hbm4b:s2+s14], $0x80, s17, s14, $0xb8;
	[tilespmem:$0x1E400] =	vst v63  }
0x3d: {  	_ =	swait.ge [sflag:s19], $0x4000  }
0x3e: {  	[sflag:s19] =	ssyncset.done $0x0  }
0x3f: {  	[sflag:s19] =	ssyncadd.s32 $0xFFFFC000  }
0x40: {  	_ =	swait.ge [sflag:s19], $0x4000  }
0x41: {  	[sflag:s19] =	ssyncset.done $0x0  }
0x42: {  	[sflag:s19] =	ssyncadd.s32 $0xFFFFC000  }
0x43: {  	_ =	swait.ge [sflag:s19], $0x4000  }
0x44: {  	[sflag:s19] =	ssyncset.done $0x0  }
0x45: {  	[sflag:s19] =	ssyncadd.s32 $0xFFFFC000  }
0x46: {  	[hbm4b:s11+s3] =	stream.linear.scatter [tilespmem:s15], [sflag:$0x3], $0xC000, $0x38;
	[tilespmem:$0x1E400] =	vst v63  }
0x47: {  	_ =	swait.ge [sflag:s1], $0xC000  }
0x48: {  	[sflag:s1] =	ssyncset.done $0x0  }
0x49: {  	s20 =	simm.s32 $0x480;
	[sflag:s1] =	ssyncadd.s32 $0xFFFF4000  }
0x4a: {  	[tilespmem:s21], [sflag:$0x2] =	stream.indirect.gather [hbm4b:s2+s14], $0x80, s20, s14, $0xb8;
	[tilespmem:$0x1E400] =	vst v63  }
0x4b: {  	s17 =	simm.s32 $0x500  }
0x4c: {  	[tilespmem:s23], [sflag:$0x2] =	stream.indirect.gather [hbm4b:s2+s14], $0x80, s17, s14, $0xb8;
	[tilespmem:$0x1E400] =	vst v63  }
0x4d: {  	s20 =	simm.s32 $0x580  }
0x4e: {  	[tilespmem:s25], [sflag:$0x2] =	stream.indirect.gather [hbm4b:s2+s14], $0x80, s20, s14, $0xb8;
	[tilespmem:$0x1E400] =	vst v63  }
0x4f: {  	_ =	swait.ge [sflag:s26], $0x4000  }
0x50: {  	[sflag:s26] =	ssyncset.done $0x0  }
0x51: {  	[sflag:s26] =	ssyncadd.s32 $0xFFFFC000  }
0x52: {  	_ =	swait.ge [sflag:s26], $0x4000  }
0x53: {  	[sflag:s26] =	ssyncset.done $0x0  }
0x54: {  	[sflag:s26] =	ssyncadd.s32 $0xFFFFC000  }
0x55: {  	_ =	swait.ge [sflag:s26], $0x4000  }
0x56: {  	[sflag:s26] =	ssyncset.done $0x0  }
0x57: {  	[sflag:s26] =	ssyncadd.s32 $0xFFFFC000  }
0x58: {  	[hbm4b:s12+s3] =	stream.linear.scatter [tilespmem:s21], [sflag:$0x4], $0xC000, $0x38;
	[tilespmem:$0x1E400] =	vst v63  }
0x59: {  	_ =	swait.ge [sflag:s28], $0xC000  }
0x5a: {  	s30 =	simm.s32 $0xC00;
	[sflag:s28] =	ssyncset.done $0x0  }
0x5b: {  	s31 =	sadd.s32 $0x3000, s11;
	s17 =	simm.s32 $0x600;
	[sflag:s28] =	ssyncadd.s32 $0xFFFF4000  }
0x5c: {  	[tilespmem:s15], [sflag:$0x1] =	stream.indirect.gather [hbm4b:s2+s14], $0x80, s17, s14, $0xb8;
	[tilespmem:$0x1E400] =	vst v63  }
0x5d: {  	s0 =	sadd.s32 $0x3000, s12;
	s20 =	simm.s32 $0x680;
	s17 =	simm.s32 $0x700  }
0x5e: {  	[tilespmem:s16], [sflag:$0x1] =	stream.indirect.gather [hbm4b:s2+s14], $0x80, s20, s14, $0xb8;
	[tilespmem:$0x1E400] =	vst v63  }
.LBB2_2:
0x5f: {  	[tilespmem:s18], [sflag:$0x1] =	stream.indirect.gather [hbm4b:s2+s14], $0x80, s17, s14, $0xb8;
	[tilespmem:$0x1E400] =	vst v63  }
0x60: {  	s17 =	smov.u32 s30  }
0x61: {  	p0 =	sne.s32 s30, $0x16800;
	s30 =	sadd.s32 $0xC00, s30;
	_ =	swait.ge [sflag:s19], $0x4000  }
0x62: {  	[sflag:s19] =	ssyncset.done $0x0  }
0x63: {  	[sflag:s19] =	ssyncadd.s32 $0xFFFFC000  }
0x64: {  	_ =	swait.ge [sflag:s19], $0x4000  }
0x65: {  	[sflag:s19] =	ssyncset.done $0x0  }
0x66: {  	[sflag:s19] =	ssyncadd.s32 $0xFFFFC000  }
0x67: {  	_ =	swait.ge [sflag:s19], $0x4000  }
0x68: {  	[sflag:s19] =	ssyncset.done $0x0  }
0x69: {  	[sflag:s19] =	ssyncadd.s32 $0xFFFFC000  }
0x6a: {  	[hbm4b:s31+s3] =	stream.linear.scatter [tilespmem:s15], [sflag:$0x3], $0xC000, $0x38;
	[tilespmem:$0x1E400] =	vst v63  }
0x6b: {  	_ =	swait.ge [sflag:s1], $0xC000  }
0x6c: {  	s17 =	sshra.s32 s17, $0x2;
	[sflag:s1] =	ssyncset.done $0x0  }
0x6d: {  	s20 =	sadd.s32 $0x480, s17;
	[sflag:s1] =	ssyncadd.s32 $0xFFFF4000  }
0x6e: {  	[tilespmem:s21], [sflag:$0x2] =	stream.indirect.gather [hbm4b:s2+s14], $0x80, s20, s14, $0xb8;
	[tilespmem:$0x1E400] =	vst v63  }
0x6f: {  	s20 =	sadd.s32 $0x500, s17  }
0x70: {  	[tilespmem:s23], [sflag:$0x2] =	stream.indirect.gather [hbm4b:s2+s14], $0x80, s20, s14, $0xb8;
	[tilespmem:$0x1E400] =	vst v63  }
0x71: {  	s20 =	sadd.s32 $0x580, s17  }
0x72: {  	[tilespmem:s25], [sflag:$0x2] =	stream.indirect.gather [hbm4b:s2+s14], $0x80, s20, s14, $0xb8;
	[tilespmem:$0x1E400] =	vst v63  }
0x73: {  	_ =	swait.ge [sflag:s26], $0x4000  }
0x74: {  	[sflag:s26] =	ssyncset.done $0x0  }
0x75: {  	[sflag:s26] =	ssyncadd.s32 $0xFFFFC000  }
0x76: {  	_ =	swait.ge [sflag:s26], $0x4000  }
0x77: {  	[sflag:s26] =	ssyncset.done $0x0  }
0x78: {  	[sflag:s26] =	ssyncadd.s32 $0xFFFFC000  }
0x79: {  	_ =	swait.ge [sflag:s26], $0x4000  }
0x7a: {  	[sflag:s26] =	ssyncset.done $0x0  }
0x7b: {  	[sflag:s26] =	ssyncadd.s32 $0xFFFFC000  }
0x7c: {  	[hbm4b:s0+s3] =	stream.linear.scatter [tilespmem:s21], [sflag:$0x4], $0xC000, $0x38;
	[tilespmem:$0x1E400] =	vst v63  }
0x7d: {  	_ =	swait.ge [sflag:s28], $0xC000  }
0x7e: {  	[sflag:s28] =	ssyncset.done $0x0  }
.Ltmp0:
0x7f: {  	s20 =	sadd.s32 $0x600, s17;
	[sflag:s28] =	ssyncadd.s32 $0xFFFF4000;
	(pc) =	sbr.rel @p0 .LBB2_2-.Ltmp0, $4  }
0x80: {  	[tilespmem:s15], [sflag:$0x1] =	stream.indirect.gather [hbm4b:s2+s14], $0x80, s20, s14, $0xb8;
	[tilespmem:$0x1E400] =	vst v63  }
0x81: {  	s20 =	sadd.s32 $0x680, s17  }
0x82: {  	[tilespmem:s16], [sflag:$0x1] =	stream.indirect.gather [hbm4b:s2+s14], $0x80, s20, s14, $0xb8;
	[tilespmem:$0x1E400] =	vst v63  }
0x83: {  	s31 =	sadd.s32 $0x3000, s31;
	s0 =	sadd.s32 $0x3000, s0;
	s17 =	sadd.s32 $0x700, s17  }
0x84: {  	[tilespmem:s18], [sflag:$0x1] =	stream.indirect.gather [hbm4b:s2+s14], $0x80, s17, s14, $0xb8;
	[tilespmem:$0x1E400] =	vst v63  }
0x85: {  	_ =	swait.ge [sflag:s19], $0x4000  }
0x86: {  	[sflag:s19] =	ssyncset.done $0x0  }
0x87: {  	[sflag:s19] =	ssyncadd.s32 $0xFFFFC000  }
0x88: {  	_ =	swait.ge [sflag:s19], $0x4000  }
0x89: {  	[sflag:s19] =	ssyncset.done $0x0  }
0x8a: {  	[sflag:s19] =	ssyncadd.s32 $0xFFFFC000  }
0x8b: {  	_ =	swait.ge [sflag:s19], $0x4000  }
0x8c: {  	[sflag:s19] =	ssyncset.done $0x0  }
0x8d: {  	[sflag:s19] =	ssyncadd.s32 $0xFFFFC000  }
0x8e: {  	[hbm4b:s7+s3] =	stream.linear.scatter [tilespmem:s15], [sflag:$0x3], $0xC000, $0x38;
	[tilespmem:$0x1E400] =	vst v63  }
0x8f: {  	_ =	swait.ge [sflag:s1], $0xC000  }
0x90: {  	[sflag:s1] =	ssyncset.done $0x0  }
0x91: {  	s0 =	simm.s32 $0x6180;
	[sflag:s1] =	ssyncadd.s32 $0xFFFF4000  }
0x92: {  	[tilespmem:s21], [sflag:$0x2] =	stream.indirect.gather [hbm4b:s2+s14], $0x80, s0, s14, $0xb8;
	[tilespmem:$0x1E400] =	vst v63  }
0x93: {  	s30 =	simm.s32 $0x6200  }
0x94: {  	[tilespmem:s23], [sflag:$0x2] =	stream.indirect.gather [hbm4b:s2+s14], $0x80, s30, s14, $0xb8;
	[tilespmem:$0x1E400] =	vst v63  }
0x95: {  	s31 =	simm.s32 $0x6280  }
0x96: {  	[tilespmem:s25], [sflag:$0x2] =	stream.indirect.gather [hbm4b:s2+s14], $0x80, s31, s14, $0xb8;
	[tilespmem:$0x1E400] =	vst v63  }
0x97: {  	_ =	swait.ge [sflag:s26], $0x4000  }
0x98: {  	[sflag:s26] =	ssyncset.done $0x0  }
0x99: {  	[sflag:s26] =	ssyncadd.s32 $0xFFFFC000  }
0x9a: {  	_ =	swait.ge [sflag:s26], $0x4000  }
0x9b: {  	[sflag:s26] =	ssyncset.done $0x0  }
0x9c: {  	[sflag:s26] =	ssyncadd.s32 $0xFFFFC000  }
0x9d: {  	_ =	swait.ge [sflag:s26], $0x4000  }
0x9e: {  	[sflag:s26] =	ssyncset.done $0x0  }
0x9f: {  	[sflag:s26] =	ssyncadd.s32 $0xFFFFC000  }
0xa0: {  	[hbm4b:s8+s3] =	stream.linear.scatter [tilespmem:s21], [sflag:$0x4], $0xC000, $0x38;
	[tilespmem:$0x1E400] =	vst v63  }
0xa1: {  	_ =	swait.ge [sflag:s28], $0xC000  }
0xa2: {  	[sflag:s28] =	ssyncset.done $0x0  }
0xa3: {  	[sflag:s28] =	ssyncadd.s32 $0xFFFF4000  }
0xa4: {  	[tilespmem:s15], [sflag:$0x1] =	stream.indirect.gather [hbm4b:s2+s14], $0x80, s22, s14, $0xb8;
	[tilespmem:$0x1E400] =	vst v63  }
0xa5: {  	_ = 	snop  }
0xa6: {  	[tilespmem:s16], [sflag:$0x1] =	stream.indirect.gather [hbm4b:s2+s14], $0x80, s24, s14, $0xb8;
	[tilespmem:$0x1E400] =	vst v63  }
0xa7: {  	_ =	swait.ge [sflag:s19], $0x4000  }
0xa8: {  	[sflag:s19] =	ssyncset.done $0x0  }
0xa9: {  	[sflag:s19] =	ssyncadd.s32 $0xFFFFC000  }
0xaa: {  	_ =	swait.ge [sflag:s19], $0x4000  }
0xab: {  	[sflag:s19] =	ssyncset.done $0x0  }
0xac: {  	s29 =	sadd.s32 $0x1, s29;
	[sflag:s19] =	ssyncadd.s32 $0xFFFFC000  }
0xad: {  	[hbm4b:s9+s3] =	stream.linear.scatter [tilespmem:s15], [sflag:$0x3], $0x8000, $0x38;
	[tilespmem:$0x1E400] =	vst v63  }
0xae: {  	p0 =	sne.s32 s29, s10;
	_ =	swait.ge [sflag:s1], $0xC000  }
.Ltmp1:
0xaf: {  	[sflag:s1] =	ssyncset.done $0x0;
	(pc) =	sbr.rel @p0 .LBB2_1-.Ltmp1, $4  }
0xb0: {  	[sflag:s1] =	ssyncadd.s32 $0xFFFF4000  }
0xb1: {  	_ =	swait.ge [sflag:s28], $0x8000  }
0xb2: {  	[sflag:s28] =	ssyncset.done $0x0  }
0xb3: {  	[sflag:s28] =	ssyncadd.s32 $0xFFFF8000  }
0xb4: {  	_ =	sfence.sel $0x180000  }
0xb5: {  	[bflag:$0x0] =	sbarrier.arrive $0xFFFF  }
0xb6: {  	_ =	strace $0x90000047  }
0xb7: {  	s0 =	stileid.u32;
	[bflag:$0x2] =	sbarrier.arrive $0xFFFF  }
0xb8: {  	p0 =	sne.s32 s0, $0x0;
	s0 =	rddreg [dreg:$0x3]  }
0xb9: {  	s0 =	sadd.s32 @!p0 $0x100000, s0  }
0xba: {  	[sflag:s0] =	ssyncadd.tile.s32 @!p0 $0x1;
	_ =	shalt  }
.Lfunc_end2:
_tile_overlayer_lowered:
.L_overlay_start_2:
0xbb: {  	(tag) =	ssettag $0x2  }
0xbc: {  	s0 =	rddreg [dreg:$0x0];
	s2 =	stileid.u32  }
0xbd: {  	s1 =	rddreg [dreg:$0x1];
	p0 =	sne.s32 s2, $0x0  }
0xbe: {  	s3 =	rddreg [dreg:$0x2];
	[bflag:$0x3] =	sbarrier.arrive $0xFFFF;
	s2 =	simm.s32 @!p0 $0x1C05  }
0xbf: {  	[timem:s3], [sflag:s2] =	dma.local @!p0 [hbm:s0], s1  }
0xc0: {  	s0 =	simm.s32 @!p0 $0x5  }
0xc1: {  	_ =	swait.ge @!p0 [sflag:s0], s1  }
0xc2: {  	s1 =	ssub.s32 @!p0 $0x0, s1;
	[sflag:s0] =	ssyncset.done @!p0 $0x0  }
0xc3: {  	[sflag:s0] =	ssyncadd.s32 @!p0 s1  }
0xc4: {  	[bflag:$0x3] =	sbarrier.arrive $0xFFFF  }
0xc5: {  	_ =	shalt  }

</sc_bundles>
